<compile_context>
chip_gen: v7x
topology: tpu7x:2x2x1
jax: 0.10.2.dev20260603
libtpu: 0.0.44.dev20260713+nightly
codegen_flags: <defaults>
</compile_context>

<pallas_src>
import functools

import jax
import jax.numpy as jnp
from jax import lax
from jax.experimental import pallas as pl
from jax.experimental.pallas import tpu as pltpu
from jax.experimental.pallas import tpu_sc as plsc



@functools.lru_cache(maxsize=None)
def _make_sc_gather(total_rows: int, d: int):
    info = plsc.get_sparse_core_info()
    nw = info.num_cores * info.num_subcores
    assert total_rows % nw == 0
    per_w = total_rows // nw
    chunk = 800
    while per_w % chunk:
        chunk //= 2
    n_chunks = per_w // chunk

    mesh = plsc.VectorSubcoreMesh(core_axis_name="c", subcore_axis_name="s")

    @functools.partial(
        pl.kernel,
        mesh=mesh,
        out_type=jax.ShapeDtypeStruct((total_rows, d), jnp.float32),
        scratch_types=[
            pltpu.VMEM((per_w,), jnp.int32),
            pltpu.VMEM((chunk, d), jnp.float32),
            pltpu.VMEM((chunk, d), jnp.float32),
            pltpu.SemaphoreType.DMA,
            pltpu.SemaphoreType.DMA,
        ],
        compiler_params=pltpu.CompilerParams(use_tc_tiling_on_sc=False),
    )
    def gather_kernel(table_hbm, idx_hbm, out_hbm, idx_v, rows_a, rows_b,
                      sem_a, sem_b):
        wid = lax.axis_index("s") * info.num_cores + lax.axis_index("c")
        base = wid * per_w
        pltpu.sync_copy(idx_hbm.at[pl.ds(base, per_w)], idx_v)
        bufs = (rows_a, rows_b)
        sems = (sem_a, sem_b)

        def gather_chunk(ci):
            return pltpu.async_copy(
                table_hbm.at[idx_v.at[pl.ds(ci * chunk, chunk)]],
                bufs[ci % 2], sems[ci % 2])

        cp = gather_chunk(0)
        for ci in range(n_chunks):
            cp.wait()
            if ci + 1 < n_chunks:
                cp = gather_chunk(ci + 1)
            pltpu.sync_copy(bufs[ci % 2],
                            out_hbm.at[pl.ds(base + ci * chunk, chunk)])

    return gather_kernel



def _lstm_body(ids_ref, emb_ref, h0_ref, c0_ref, wk_ref, wr_ref, b_ref,
               dec_ref, hf_ref, cf_ref, h_s, c_s, o_s,
               *, seq_len: int, t_chunk: int, units: int):
    tc = pl.program_id(1)

    @pl.when(tc == 0)
    def _():
        h_s[...] = h0_ref[...]
        c_s[...] = c0_ref[...]
        o_s[...] = jnp.zeros_like(o_s)

    h = h_s[...]
    c = c_s[...]
    out_prev = o_s[...]
    wk = wk_ref[...]
    wr = wr_ref[...]
    bias = b_ref[...]
    u = units
    m_all = (ids_ref[...] != 0).astype(jnp.float32)
    t_iota = lax.broadcasted_iota(jnp.int32, (seq_len, 1), 0)
    d = wk_ref.shape[0]
    for t in range(t_chunk):
        onehot_x = (t_iota == tc * t_chunk + t).astype(jnp.float32)
        x = emb_ref[:, t * d:(t + 1) * d]
        z = (jnp.dot(x, wk, preferred_element_type=jnp.float32)
             + jnp.dot(h, wr, preferred_element_type=jnp.float32)
             + bias)
        gi = jax.nn.sigmoid(z[:, :u])
        gf = jax.nn.sigmoid(z[:, u:2 * u])
        gg = jnp.tanh(z[:, 2 * u:3 * u])
        go = jax.nn.sigmoid(z[:, 3 * u:])
        c_new = gf * c + gi * gg
        h_new = go * jnp.tanh(c_new)
        m = jnp.dot(m_all, onehot_x, preferred_element_type=jnp.float32)
        km = 1.0 - m
        h = m * h_new + km * h
        c = m * c_new + km * c
        out_prev = m * h_new + km * out_prev
        dec_ref[:, t * u:(t + 1) * u] = out_prev
    h_s[...] = h
    c_s[...] = c
    o_s[...] = out_prev
    hf_ref[...] = h
    cf_ref[...] = c


def _run_lstm(ids, emb, h0, c0, wk, wr, bias, *,
              block_b: int = 512, t_chunk: int = 10):
    b, l = ids.shape
    d = emb.shape[-1] // l
    u = h0.shape[-1]
    grid = (b // block_b, l // t_chunk)
    body = functools.partial(_lstm_body, seq_len=l, t_chunk=t_chunk, units=u)
    dec, hf, cf = pl.pallas_call(
        body,
        grid=grid,
        in_specs=[
            pl.BlockSpec((block_b, l), lambda i, t: (i, 0)),
            pl.BlockSpec((block_b, t_chunk * d), lambda i, t: (i, t)),
            pl.BlockSpec((block_b, u), lambda i, t: (i, 0)),
            pl.BlockSpec((block_b, u), lambda i, t: (i, 0)),
            pl.BlockSpec((d, 4 * u), lambda i, t: (0, 0)),
            pl.BlockSpec((u, 4 * u), lambda i, t: (0, 0)),
            pl.BlockSpec((1, 4 * u), lambda i, t: (0, 0)),
        ],
        out_specs=[
            pl.BlockSpec((block_b, t_chunk * u), lambda i, t: (i, t)),
            pl.BlockSpec((block_b, u), lambda i, t: (i, 0)),
            pl.BlockSpec((block_b, u), lambda i, t: (i, 0)),
        ],
        out_shape=[
            jax.ShapeDtypeStruct((b, l * u), jnp.float32),
            jax.ShapeDtypeStruct((b, u), jnp.float32),
            jax.ShapeDtypeStruct((b, u), jnp.float32),
        ],
        scratch_shapes=[
            pltpu.VMEM((block_b, u), jnp.float32),
            pltpu.VMEM((block_b, u), jnp.float32),
            pltpu.VMEM((block_b, u), jnp.float32),
        ],
        compiler_params=pltpu.CompilerParams(
            dimension_semantics=("arbitrary", "arbitrary"),
        ),
    )(ids, emb, h0, c0, wk, wr, bias)
    return dec.reshape(b, l, u), hf, cf



def kernel(input_sequence, initial_state_h, initial_state_c, embedding_table,
           lstm_kernel, lstm_recurrent, lstm_bias):
    b, l = input_sequence.shape
    v, d = embedding_table.shape
    u = initial_state_h.shape[-1]

    ids = input_sequence.astype(jnp.int32)
    idx = ids.reshape(-1)
    emb_flat = _make_sc_gather(b * l, d)(embedding_table, idx)
    emb = emb_flat.reshape(b, l * d)

    dec, h_fin, c_fin = _run_lstm(
        ids, emb, initial_state_h, initial_state_c,
        lstm_kernel, lstm_recurrent, lstm_bias.reshape(1, 4 * u))
    return dec, h_fin, c_fin

# --- scband reference (transcript-rebuilt; emitter-appended) ---
"""Pipeline reference for scband-decoder-7876970021188 (READ-ONLY COPY).

The authoritative reference and input builder live on the scoring server;
editing this copy changes nothing except your own understanding.
"""

import jax, jax.numpy as jnp
import numpy as np

V = 1000000
D = 64
U = 64
B = 4096
L = 50


def setup_inputs(seed: int = 0) -> dict:
    key = jax.random.key(seed)
    ks = jax.random.split(key, 7)
    return {
        "input_sequence": jax.random.randint(ks[0], (B, L), 0, V, dtype=jnp.int64 if jax.config.jax_enable_x64 else jnp.int32),
        "initial_state_h": jax.random.normal(ks[1], (B, U), dtype=jnp.float32),
        "initial_state_c": jax.random.normal(ks[2], (B, U), dtype=jnp.float32),
        "embedding_table": jax.random.normal(ks[3], (V, D), dtype=jnp.float32) * 0.05,
        "lstm_kernel": jax.random.normal(ks[4], (D, 4 * U), dtype=jnp.float32) * (1.0 / np.sqrt(D)),
        "lstm_recurrent": jax.random.normal(ks[5], (U, 4 * U), dtype=jnp.float32) * (1.0 / np.sqrt(U)),
        "lstm_bias": jnp.concatenate([jnp.zeros((U,), jnp.float32), jnp.ones((U,), jnp.float32), jnp.zeros((2 * U,), jnp.float32)]),
    }


def _run_decoder(input_sequence, h0, c0, table, Wk, Wr, b):
    # Embedding with mask_zero=True: gather, mask where id == 0
    emb = jnp.take(table, input_sequence, axis=0)            # [B, L, D]
    mask = (input_sequence != 0)                              # [B, L]

    xs = jnp.transpose(emb, (1, 0, 2))                        # [L, B, D]
    ms = jnp.transpose(mask, (1, 0))                          # [L, B]

    def step(carry, inp):
        h, c, out_prev = carry
        x_t, m_t = inp
        z = x_t @ Wk + h @ Wr + b                             # [B, 4U]
        zi, zf, zg, zo = jnp.split(z, 4, axis=-1)             # keras gate order i,f,c,o
        i = jax.nn.sigmoid(zi)
        f = jax.nn.sigmoid(zf)
        g = jnp.tanh(zg)
        o = jax.nn.sigmoid(zo)
        c_new = f * c + i * g
        h_new = o * jnp.tanh(c_new)
        m = m_t[:, None]
        h_out = jnp.where(m, h_new, h)
        c_out = jnp.where(m, c_new, c)
        out_t = jnp.where(m, h_new, out_prev)                 # keras masked-step output carry (init zeros)
        return (h_out, c_out, out_t), out_t

    out0 = jnp.zeros_like(h0)
    (h_fin, c_fin, _), outs = jax.lax.scan(step, (h0, c0, out0), (xs, ms))
    decoder_output = jnp.transpose(outs, (1, 0, 2))           # [B, L, U]
    return decoder_output, h_fin, c_fin


def reference(input_sequence, initial_state_h, initial_state_c, embedding_table, lstm_kernel, lstm_recurrent, lstm_bias):
    return _run_decoder(input_sequence, initial_state_h, initial_state_c, embedding_table, lstm_kernel, lstm_recurrent, lstm_bias)

if __name__ == "__main__":
    import jax
    _d = setup_inputs()
    print(jax.jit(kernel)(*tuple(_d.values())))

</pallas_src>

<mosaic_0001>
#map = affine_map<(d0, d1) -> (0, 0)>
#map1 = affine_map<(d0, d1) -> (0)>
module attributes {stable_mosaic.version = 14 : i64} {
  func.func @gather_kernel(%arg0: i32, %arg1: i32, %arg2: memref<1000000x64xf32, #tpu.memory_space<hbm>>, %arg3: memref<204800xi32, #tpu.memory_space<hbm>>, %arg4: memref<204800x64xf32, #tpu.memory_space<hbm>>, %arg5: memref<6400xi32, #tpu.memory_space<vmem>>, %arg6: memref<800x64xf32, #tpu.memory_space<vmem>>, %arg7: memref<800x64xf32, #tpu.memory_space<vmem>>, %arg8: memref<!tpu.dma_semaphore, #tpu.memory_space<semaphore_mem>>, %arg9: memref<!tpu.dma_semaphore, #tpu.memory_space<semaphore_mem>>) attributes {dimension_semantics = [#tpu.dimension_semantics<core_parallel>, #tpu.dimension_semantics<subcore_parallel>], iteration_bounds = array<i64: 2, 16>, scalar_prefetch = 0 : i64, scratch_operands = 5 : i64, tpu.core_type = #tpu.core_type<sc_vector_subcore>, window_params = [{transform_indices = #map}, {transform_indices = #map1}, {transform_indices = #map}]} {
    %mul3A = arith.constant 2 : i32
    %mul3A_0 = arith.muli %arg1, %mul3A : i32
    %add3A = arith.addi %mul3A_0, %arg0 : i32
    %mul3A_1 = arith.constant 6400 : i32
    %mul3A_2 = arith.muli %add3A, %mul3A_1 : i32
    "tpu.region"() ({
      %run_scoped3A = tpu.sem_alloc : memref<!tpu.dma_semaphore, #tpu.memory_space<semaphore_mem>>
      %dma_start3A_97 = tpu.memref_slice %arg3[%mul3A_2] : memref<204800xi32, #tpu.memory_space<hbm>> -> memref<6400xi32, #tpu.memory_space<hbm>>
      %dma_start3A_98 = tpu.memref_slice %arg3[%mul3A_2] : memref<204800xi32, #tpu.memory_space<hbm>> -> memref<6400xi32, #tpu.memory_space<hbm>>
      tpu.enqueue_dma source(%dma_start3A_98 : memref<6400xi32, #tpu.memory_space<hbm>>) target(%arg5 : memref<6400xi32, #tpu.memory_space<vmem>>) target_semaphore(%run_scoped3A : memref<!tpu.dma_semaphore, #tpu.memory_space<semaphore_mem>>)
      %dma_wait3A_99 = tpu.memref_slice %arg3[%mul3A_2] : memref<204800xi32, #tpu.memory_space<hbm>> -> memref<6400xi32, #tpu.memory_space<hbm>>
      %dma_wait3A_100 = tpu.memref_slice %arg3[%mul3A_2] : memref<204800xi32, #tpu.memory_space<hbm>> -> memref<6400xi32, #tpu.memory_space<hbm>>
      tpu.wait_dma2 semaphore(%run_scoped3A : memref<!tpu.dma_semaphore, #tpu.memory_space<semaphore_mem>>) src(%dma_wait3A_100 : memref<6400xi32, #tpu.memory_space<hbm>>) dst(%arg5 : memref<6400xi32, #tpu.memory_space<vmem>>)
      tpu.yield
    }) : () -> ()
    %dma_start3A = arith.constant 0 : i32
    %dma_start3A_3 = tpu.memref_slice %arg5[%dma_start3A] : memref<6400xi32, #tpu.memory_space<vmem>> -> memref<800xi32, #tpu.memory_space<vmem>>
    %dma_start3A_4 = arith.constant 0 : i32
    %dma_start3A_5 = arith.constant 0 : i32
    %dma_start3A_6 = tpu.memref_slice %arg2[%dma_start3A_4, %dma_start3A_5] : memref<1000000x64xf32, #tpu.memory_space<hbm>> -> memref<1000000x64xf32, #tpu.memory_space<hbm>>
    tpu.enqueue_indirect_dma source(%dma_start3A_6 : memref<1000000x64xf32, #tpu.memory_space<hbm>>) target(%arg6 : memref<800x64xf32, #tpu.memory_space<vmem>>) offsets(%dma_start3A_3 : memref<800xi32, #tpu.memory_space<vmem>>) semaphore(%arg8 : memref<!tpu.dma_semaphore, #tpu.memory_space<semaphore_mem>>)
    %dma_wait3A = arith.constant 0 : i32
    %dma_wait3A_7 = tpu.memref_slice %arg5[%dma_wait3A] : memref<6400xi32, #tpu.memory_space<vmem>> -> memref<800xi32, #tpu.memory_space<vmem>>
    %dma_wait3A_8 = arith.constant 0 : i32
    %dma_wait3A_9 = arith.constant 0 : i32
    %dma_wait3A_10 = tpu.memref_slice %arg2[%dma_wait3A_8, %dma_wait3A_9] : memref<1000000x64xf32, #tpu.memory_space<hbm>> -> memref<1000000x64xf32, #tpu.memory_space<hbm>>
    tpu.wait_indirect_dma semaphore(%arg8 : memref<!tpu.dma_semaphore, #tpu.memory_space<semaphore_mem>>) src(%dma_wait3A_10 : memref<1000000x64xf32, #tpu.memory_space<hbm>>) dst(%arg6 : memref<800x64xf32, #tpu.memory_space<vmem>>)
    %dma_start3A_11 = arith.constant 800 : i32
    %dma_start3A_12 = tpu.memref_slice %arg5[%dma_start3A_11] : memref<6400xi32, #tpu.memory_space<vmem>> -> memref<800xi32, #tpu.memory_space<vmem>>
    %dma_start3A_13 = arith.constant 0 : i32
    %dma_start3A_14 = arith.constant 0 : i32
    %dma_start3A_15 = tpu.memref_slice %arg2[%dma_start3A_13, %dma_start3A_14] : memref<1000000x64xf32, #tpu.memory_space<hbm>> -> memref<1000000x64xf32, #tpu.memory_space<hbm>>
    tpu.enqueue_indirect_dma source(%dma_start3A_15 : memref<1000000x64xf32, #tpu.memory_space<hbm>>) target(%arg7 : memref<800x64xf32, #tpu.memory_space<vmem>>) offsets(%dma_start3A_12 : memref<800xi32, #tpu.memory_space<vmem>>) semaphore(%arg9 : memref<!tpu.dma_semaphore, #tpu.memory_space<semaphore_mem>>)
    %add3A_16 = arith.constant 0 : i32
    %add3A_17 = arith.addi %mul3A_2, %add3A_16 : i32
    "tpu.region"() ({
      %run_scoped3A = tpu.sem_alloc : memref<!tpu.dma_semaphore, #tpu.memory_space<semaphore_mem>>
      %dma_start3A_97 = arith.constant 0 : i32
      %dma_start3A_98 = tpu.memref_slice %arg4[%add3A_17, %dma_start3A_97] : memref<204800x64xf32, #tpu.memory_space<hbm>> -> memref<800x64xf32, #tpu.memory_space<hbm>>
      %dma_start3A_99 = arith.constant 0 : i32
      %dma_start3A_100 = tpu.memref_slice %arg4[%add3A_17, %dma_start3A_99] : memref<204800x64xf32, #tpu.memory_space<hbm>> -> memref<800x64xf32, #tpu.memory_space<hbm>>
      tpu.enqueue_dma source(%arg6 : memref<800x64xf32, #tpu.memory_space<vmem>>) target(%dma_start3A_100 : memref<800x64xf32, #tpu.memory_space<hbm>>) target_semaphore(%run_scoped3A : memref<!tpu.dma_semaphore, #tpu.memory_space<semaphore_mem>>)
      %dma_wait3A_101 = arith.constant 0 : i32
      %dma_wait3A_102 = tpu.memref_slice %arg4[%add3A_17, %dma_wait3A_101] : memref<204800x64xf32, #tpu.memory_space<hbm>> -> memref<800x64xf32, #tpu.memory_space<hbm>>
      %dma_wait3A_103 = arith.constant 0 : i32
      %dma_wait3A_104 = tpu.memref_slice %arg4[%add3A_17, %dma_wait3A_103] : memref<204800x64xf32, #tpu.memory_space<hbm>> -> memref<800x64xf32, #tpu.memory_space<hbm>>
      tpu.wait_dma2 semaphore(%run_scoped3A : memref<!tpu.dma_semaphore, #tpu.memory_space<semaphore_mem>>) src(%arg6 : memref<800x64xf32, #tpu.memory_space<vmem>>) dst(%dma_wait3A_104 : memref<800x64xf32, #tpu.memory_space<hbm>>)
      tpu.yield
    }) : () -> ()
    %dma_wait3A_18 = arith.constant 800 : i32
    %dma_wait3A_19 = tpu.memref_slice %arg5[%dma_wait3A_18] : memref<6400xi32, #tpu.memory_space<vmem>> -> memref<800xi32, #tpu.memory_space<vmem>>
    %dma_wait3A_20 = arith.constant 0 : i32
    %dma_wait3A_21 = arith.constant 0 : i32
    %dma_wait3A_22 = tpu.memref_slice %arg2[%dma_wait3A_20, %dma_wait3A_21] : memref<1000000x64xf32, #tpu.memory_space<hbm>> -> memref<1000000x64xf32, #tpu.memory_space<hbm>>
    tpu.wait_indirect_dma semaphore(%arg9 : memref<!tpu.dma_semaphore, #tpu.memory_space<semaphore_mem>>) src(%dma_wait3A_22 : memref<1000000x64xf32, #tpu.memory_space<hbm>>) dst(%arg7 : memref<800x64xf32, #tpu.memory_space<vmem>>)
    %dma_start3A_23 = arith.constant 1600 : i32
    %dma_start3A_24 = tpu.memref_slice %arg5[%dma_start3A_23] : memref<6400xi32, #tpu.memory_space<vmem>> -> memref<800xi32, #tpu.memory_space<vmem>>
    %dma_start3A_25 = arith.constant 0 : i32
    %dma_start3A_26 = arith.constant 0 : i32
    %dma_start3A_27 = tpu.memref_slice %arg2[%dma_start3A_25, %dma_start3A_26] : memref<1000000x64xf32, #tpu.memory_space<hbm>> -> memref<1000000x64xf32, #tpu.memory_space<hbm>>
    tpu.enqueue_indirect_dma source(%dma_start3A_27 : memref<1000000x64xf32, #tpu.memory_space<hbm>>) target(%arg6 : memref<800x64xf32, #tpu.memory_space<vmem>>) offsets(%dma_start3A_24 : memref<800xi32, #tpu.memory_space<vmem>>) semaphore(%arg8 : memref<!tpu.dma_semaphore, #tpu.memory_space<semaphore_mem>>)
    %add3A_28 = arith.constant 800 : i32
    %add3A_29 = arith.addi %mul3A_2, %add3A_28 : i32
    "tpu.region"() ({
      %run_scoped3A = tpu.sem_alloc : memref<!tpu.dma_semaphore, #tpu.memory_space<semaphore_mem>>
      %dma_start3A_97 = arith.constant 0 : i32
      %dma_start3A_98 = tpu.memref_slice %arg4[%add3A_29, %dma_start3A_97] : memref<204800x64xf32, #tpu.memory_space<hbm>> -> memref<800x64xf32, #tpu.memory_space<hbm>>
      %dma_start3A_99 = arith.constant 0 : i32
      %dma_start3A_100 = tpu.memref_slice %arg4[%add3A_29, %dma_start3A_99] : memref<204800x64xf32, #tpu.memory_space<hbm>> -> memref<800x64xf32, #tpu.memory_space<hbm>>
      tpu.enqueue_dma source(%arg7 : memref<800x64xf32, #tpu.memory_space<vmem>>) target(%dma_start3A_100 : memref<800x64xf32, #tpu.memory_space<hbm>>) target_semaphore(%run_scoped3A : memref<!tpu.dma_semaphore, #tpu.memory_space<semaphore_mem>>)
      %dma_wait3A_101 = arith.constant 0 : i32
      %dma_wait3A_102 = tpu.memref_slice %arg4[%add3A_29, %dma_wait3A_101] : memref<204800x64xf32, #tpu.memory_space<hbm>> -> memref<800x64xf32, #tpu.memory_space<hbm>>
      %dma_wait3A_103 = arith.constant 0 : i32
      %dma_wait3A_104 = tpu.memref_slice %arg4[%add3A_29, %dma_wait3A_103] : memref<204800x64xf32, #tpu.memory_space<hbm>> -> memref<800x64xf32, #tpu.memory_space<hbm>>
      tpu.wait_dma2 semaphore(%run_scoped3A : memref<!tpu.dma_semaphore, #tpu.memory_space<semaphore_mem>>) src(%arg7 : memref<800x64xf32, #tpu.memory_space<vmem>>) dst(%dma_wait3A_104 : memref<800x64xf32, #tpu.memory_space<hbm>>)
      tpu.yield
    }) : () -> ()
    %dma_wait3A_30 = arith.constant 1600 : i32
    %dma_wait3A_31 = tpu.memref_slice %arg5[%dma_wait3A_30] : memref<6400xi32, #tpu.memory_space<vmem>> -> memref<800xi32, #tpu.memory_space<vmem>>
    %dma_wait3A_32 = arith.constant 0 : i32
    %dma_wait3A_33 = arith.constant 0 : i32
    %dma_wait3A_34 = tpu.memref_slice %arg2[%dma_wait3A_32, %dma_wait3A_33] : memref<1000000x64xf32, #tpu.memory_space<hbm>> -> memref<1000000x64xf32, #tpu.memory_space<hbm>>
    tpu.wait_indirect_dma semaphore(%arg8 : memref<!tpu.dma_semaphore, #tpu.memory_space<semaphore_mem>>) src(%dma_wait3A_34 : memref<1000000x64xf32, #tpu.memory_space<hbm>>) dst(%arg6 : memref<800x64xf32, #tpu.memory_space<vmem>>)
    %dma_start3A_35 = arith.constant 2400 : i32
    %dma_start3A_36 = tpu.memref_slice %arg5[%dma_start3A_35] : memref<6400xi32, #tpu.memory_space<vmem>> -> memref<800xi32, #tpu.memory_space<vmem>>
    %dma_start3A_37 = arith.constant 0 : i32
    %dma_start3A_38 = arith.constant 0 : i32
    %dma_start3A_39 = tpu.memref_slice %arg2[%dma_start3A_37, %dma_start3A_38] : memref<1000000x64xf32, #tpu.memory_space<hbm>> -> memref<1000000x64xf32, #tpu.memory_space<hbm>>
    tpu.enqueue_indirect_dma source(%dma_start3A_39 : memref<1000000x64xf32, #tpu.memory_space<hbm>>) target(%arg7 : memref<800x64xf32, #tpu.memory_space<vmem>>) offsets(%dma_start3A_36 : memref<800xi32, #tpu.memory_space<vmem>>) semaphore(%arg9 : memref<!tpu.dma_semaphore, #tpu.memory_space<semaphore_mem>>)
    %add3A_40 = arith.constant 1600 : i32
    %add3A_41 = arith.addi %mul3A_2, %add3A_40 : i32
    "tpu.region"() ({
      %run_scoped3A = tpu.sem_alloc : memref<!tpu.dma_semaphore, #tpu.memory_space<semaphore_mem>>
      %dma_start3A_97 = arith.constant 0 : i32
      %dma_start3A_98 = tpu.memref_slice %arg4[%add3A_41, %dma_start3A_97] : memref<204800x64xf32, #tpu.memory_space<hbm>> -> memref<800x64xf32, #tpu.memory_space<hbm>>
      %dma_start3A_99 = arith.constant 0 : i32
      %dma_start3A_100 = tpu.memref_slice %arg4[%add3A_41, %dma_start3A_99] : memref<204800x64xf32, #tpu.memory_space<hbm>> -> memref<800x64xf32, #tpu.memory_space<hbm>>
      tpu.enqueue_dma source(%arg6 : memref<800x64xf32, #tpu.memory_space<vmem>>) target(%dma_start3A_100 : memref<800x64xf32, #tpu.memory_space<hbm>>) target_semaphore(%run_scoped3A : memref<!tpu.dma_semaphore, #tpu.memory_space<semaphore_mem>>)
      %dma_wait3A_101 = arith.constant 0 : i32
      %dma_wait3A_102 = tpu.memref_slice %arg4[%add3A_41, %dma_wait3A_101] : memref<204800x64xf32, #tpu.memory_space<hbm>> -> memref<800x64xf32, #tpu.memory_space<hbm>>
      %dma_wait3A_103 = arith.constant 0 : i32
      %dma_wait3A_104 = tpu.memref_slice %arg4[%add3A_41, %dma_wait3A_103] : memref<204800x64xf32, #tpu.memory_space<hbm>> -> memref<800x64xf32, #tpu.memory_space<hbm>>
      tpu.wait_dma2 semaphore(%run_scoped3A : memref<!tpu.dma_semaphore, #tpu.memory_space<semaphore_mem>>) src(%arg6 : memref<800x64xf32, #tpu.memory_space<vmem>>) dst(%dma_wait3A_104 : memref<800x64xf32, #tpu.memory_space<hbm>>)
      tpu.yield
    }) : () -> ()
    %dma_wait3A_42 = arith.constant 2400 : i32
    %dma_wait3A_43 = tpu.memref_slice %arg5[%dma_wait3A_42] : memref<6400xi32, #tpu.memory_space<vmem>> -> memref<800xi32, #tpu.memory_space<vmem>>
    %dma_wait3A_44 = arith.constant 0 : i32
    %dma_wait3A_45 = arith.constant 0 : i32
    %dma_wait3A_46 = tpu.memref_slice %arg2[%dma_wait3A_44, %dma_wait3A_45] : memref<1000000x64xf32, #tpu.memory_space<hbm>> -> memref<1000000x64xf32, #tpu.memory_space<hbm>>
    tpu.wait_indirect_dma semaphore(%arg9 : memref<!tpu.dma_semaphore, #tpu.memory_space<semaphore_mem>>) src(%dma_wait3A_46 : memref<1000000x64xf32, #tpu.memory_space<hbm>>) dst(%arg7 : memref<800x64xf32, #tpu.memory_space<vmem>>)
    %dma_start3A_47 = arith.constant 3200 : i32
    %dma_start3A_48 = tpu.memref_slice %arg5[%dma_start3A_47] : memref<6400xi32, #tpu.memory_space<vmem>> -> memref<800xi32, #tpu.memory_space<vmem>>
    %dma_start3A_49 = arith.constant 0 : i32
    %dma_start3A_50 = arith.constant 0 : i32
    %dma_start3A_51 = tpu.memref_slice %arg2[%dma_start3A_49, %dma_start3A_50] : memref<1000000x64xf32, #tpu.memory_space<hbm>> -> memref<1000000x64xf32, #tpu.memory_space<hbm>>
    tpu.enqueue_indirect_dma source(%dma_start3A_51 : memref<1000000x64xf32, #tpu.memory_space<hbm>>) target(%arg6 : memref<800x64xf32, #tpu.memory_space<vmem>>) offsets(%dma_start3A_48 : memref<800xi32, #tpu.memory_space<vmem>>) semaphore(%arg8 : memref<!tpu.dma_semaphore, #tpu.memory_space<semaphore_mem>>)
    %add3A_52 = arith.constant 2400 : i32
    %add3A_53 = arith.addi %mul3A_2, %add3A_52 : i32
    "tpu.region"() ({
      %run_scoped3A = tpu.sem_alloc : memref<!tpu.dma_semaphore, #tpu.memory_space<semaphore_mem>>
      %dma_start3A_97 = arith.constant 0 : i32
      %dma_start3A_98 = tpu.memref_slice %arg4[%add3A_53, %dma_start3A_97] : memref<204800x64xf32, #tpu.memory_space<hbm>> -> memref<800x64xf32, #tpu.memory_space<hbm>>
      %dma_start3A_99 = arith.constant 0 : i32
      %dma_start3A_100 = tpu.memref_slice %arg4[%add3A_53, %dma_start3A_99] : memref<204800x64xf32, #tpu.memory_space<hbm>> -> memref<800x64xf32, #tpu.memory_space<hbm>>
      tpu.enqueue_dma source(%arg7 : memref<800x64xf32, #tpu.memory_space<vmem>>) target(%dma_start3A_100 : memref<800x64xf32, #tpu.memory_space<hbm>>) target_semaphore(%run_scoped3A : memref<!tpu.dma_semaphore, #tpu.memory_space<semaphore_mem>>)
      %dma_wait3A_101 = arith.constant 0 : i32
      %dma_wait3A_102 = tpu.memref_slice %arg4[%add3A_53, %dma_wait3A_101] : memref<204800x64xf32, #tpu.memory_space<hbm>> -> memref<800x64xf32, #tpu.memory_space<hbm>>
      %dma_wait3A_103 = arith.constant 0 : i32
      %dma_wait3A_104 = tpu.memref_slice %arg4[%add3A_53, %dma_wait3A_103] : memref<204800x64xf32, #tpu.memory_space<hbm>> -> memref<800x64xf32, #tpu.memory_space<hbm>>
      tpu.wait_dma2 semaphore(%run_scoped3A : memref<!tpu.dma_semaphore, #tpu.memory_space<semaphore_mem>>) src(%arg7 : memref<800x64xf32, #tpu.memory_space<vmem>>) dst(%dma_wait3A_104 : memref<800x64xf32, #tpu.memory_space<hbm>>)
      tpu.yield
    }) : () -> ()
    %dma_wait3A_54 = arith.constant 3200 : i32
    %dma_wait3A_55 = tpu.memref_slice %arg5[%dma_wait3A_54] : memref<6400xi32, #tpu.memory_space<vmem>> -> memref<800xi32, #tpu.memory_space<vmem>>
    %dma_wait3A_56 = arith.constant 0 : i32
    %dma_wait3A_57 = arith.constant 0 : i32
    %dma_wait3A_58 = tpu.memref_slice %arg2[%dma_wait3A_56, %dma_wait3A_57] : memref<1000000x64xf32, #tpu.memory_space<hbm>> -> memref<1000000x64xf32, #tpu.memory_space<hbm>>
    tpu.wait_indirect_dma semaphore(%arg8 : memref<!tpu.dma_semaphore, #tpu.memory_space<semaphore_mem>>) src(%dma_wait3A_58 : memref<1000000x64xf32, #tpu.memory_space<hbm>>) dst(%arg6 : memref<800x64xf32, #tpu.memory_space<vmem>>)
    %dma_start3A_59 = arith.constant 4000 : i32
    %dma_start3A_60 = tpu.memref_slice %arg5[%dma_start3A_59] : memref<6400xi32, #tpu.memory_space<vmem>> -> memref<800xi32, #tpu.memory_space<vmem>>
    %dma_start3A_61 = arith.constant 0 : i32
    %dma_start3A_62 = arith.constant 0 : i32
    %dma_start3A_63 = tpu.memref_slice %arg2[%dma_start3A_61, %dma_start3A_62] : memref<1000000x64xf32, #tpu.memory_space<hbm>> -> memref<1000000x64xf32, #tpu.memory_space<hbm>>
    tpu.enqueue_indirect_dma source(%dma_start3A_63 : memref<1000000x64xf32, #tpu.memory_space<hbm>>) target(%arg7 : memref<800x64xf32, #tpu.memory_space<vmem>>) offsets(%dma_start3A_60 : memref<800xi32, #tpu.memory_space<vmem>>) semaphore(%arg9 : memref<!tpu.dma_semaphore, #tpu.memory_space<semaphore_mem>>)
    %add3A_64 = arith.constant 3200 : i32
    %add3A_65 = arith.addi %mul3A_2, %add3A_64 : i32
    "tpu.region"() ({
      %run_scoped3A = tpu.sem_alloc : memref<!tpu.dma_semaphore, #tpu.memory_space<semaphore_mem>>
      %dma_start3A_97 = arith.constant 0 : i32
      %dma_start3A_98 = tpu.memref_slice %arg4[%add3A_65, %dma_start3A_97] : memref<204800x64xf32, #tpu.memory_space<hbm>> -> memref<800x64xf32, #tpu.memory_space<hbm>>
      %dma_start3A_99 = arith.constant 0 : i32
      %dma_start3A_100 = tpu.memref_slice %arg4[%add3A_65, %dma_start3A_99] : memref<204800x64xf32, #tpu.memory_space<hbm>> -> memref<800x64xf32, #tpu.memory_space<hbm>>
      tpu.enqueue_dma source(%arg6 : memref<800x64xf32, #tpu.memory_space<vmem>>) target(%dma_start3A_100 : memref<800x64xf32, #tpu.memory_space<hbm>>) target_semaphore(%run_scoped3A : memref<!tpu.dma_semaphore, #tpu.memory_space<semaphore_mem>>)
      %dma_wait3A_101 = arith.constant 0 : i32
      %dma_wait3A_102 = tpu.memref_slice %arg4[%add3A_65, %dma_wait3A_101] : memref<204800x64xf32, #tpu.memory_space<hbm>> -> memref<800x64xf32, #tpu.memory_space<hbm>>
      %dma_wait3A_103 = arith.constant 0 : i32
      %dma_wait3A_104 = tpu.memref_slice %arg4[%add3A_65, %dma_wait3A_103] : memref<204800x64xf32, #tpu.memory_space<hbm>> -> memref<800x64xf32, #tpu.memory_space<hbm>>
      tpu.wait_dma2 semaphore(%run_scoped3A : memref<!tpu.dma_semaphore, #tpu.memory_space<semaphore_mem>>) src(%arg6 : memref<800x64xf32, #tpu.memory_space<vmem>>) dst(%dma_wait3A_104 : memref<800x64xf32, #tpu.memory_space<hbm>>)
      tpu.yield
    }) : () -> ()
    %dma_wait3A_66 = arith.constant 4000 : i32
    %dma_wait3A_67 = tpu.memref_slice %arg5[%dma_wait3A_66] : memref<6400xi32, #tpu.memory_space<vmem>> -> memref<800xi32, #tpu.memory_space<vmem>>
    %dma_wait3A_68 = arith.constant 0 : i32
    %dma_wait3A_69 = arith.constant 0 : i32
    %dma_wait3A_70 = tpu.memref_slice %arg2[%dma_wait3A_68, %dma_wait3A_69] : memref<1000000x64xf32, #tpu.memory_space<hbm>> -> memref<1000000x64xf32, #tpu.memory_space<hbm>>
    tpu.wait_indirect_dma semaphore(%arg9 : memref<!tpu.dma_semaphore, #tpu.memory_space<semaphore_mem>>) src(%dma_wait3A_70 : memref<1000000x64xf32, #tpu.memory_space<hbm>>) dst(%arg7 : memref<800x64xf32, #tpu.memory_space<vmem>>)
    %dma_start3A_71 = arith.constant 4800 : i32
    %dma_start3A_72 = tpu.memref_slice %arg5[%dma_start3A_71] : memref<6400xi32, #tpu.memory_space<vmem>> -> memref<800xi32, #tpu.memory_space<vmem>>
    %dma_start3A_73 = arith.constant 0 : i32
    %dma_start3A_74 = arith.constant 0 : i32
    %dma_start3A_75 = tpu.memref_slice %arg2[%dma_start3A_73, %dma_start3A_74] : memref<1000000x64xf32, #tpu.memory_space<hbm>> -> memref<1000000x64xf32, #tpu.memory_space<hbm>>
    tpu.enqueue_indirect_dma source(%dma_start3A_75 : memref<1000000x64xf32, #tpu.memory_space<hbm>>) target(%arg6 : memref<800x64xf32, #tpu.memory_space<vmem>>) offsets(%dma_start3A_72 : memref<800xi32, #tpu.memory_space<vmem>>) semaphore(%arg8 : memref<!tpu.dma_semaphore, #tpu.memory_space<semaphore_mem>>)
    %add3A_76 = arith.constant 4000 : i32
    %add3A_77 = arith.addi %mul3A_2, %add3A_76 : i32
    "tpu.region"() ({
      %run_scoped3A = tpu.sem_alloc : memref<!tpu.dma_semaphore, #tpu.memory_space<semaphore_mem>>
      %dma_start3A_97 = arith.constant 0 : i32
      %dma_start3A_98 = tpu.memref_slice %arg4[%add3A_77, %dma_start3A_97] : memref<204800x64xf32, #tpu.memory_space<hbm>> -> memref<800x64xf32, #tpu.memory_space<hbm>>
      %dma_start3A_99 = arith.constant 0 : i32
      %dma_start3A_100 = tpu.memref_slice %arg4[%add3A_77, %dma_start3A_99] : memref<204800x64xf32, #tpu.memory_space<hbm>> -> memref<800x64xf32, #tpu.memory_space<hbm>>
      tpu.enqueue_dma source(%arg7 : memref<800x64xf32, #tpu.memory_space<vmem>>) target(%dma_start3A_100 : memref<800x64xf32, #tpu.memory_space<hbm>>) target_semaphore(%run_scoped3A : memref<!tpu.dma_semaphore, #tpu.memory_space<semaphore_mem>>)
      %dma_wait3A_101 = arith.constant 0 : i32
      %dma_wait3A_102 = tpu.memref_slice %arg4[%add3A_77, %dma_wait3A_101] : memref<204800x64xf32, #tpu.memory_space<hbm>> -> memref<800x64xf32, #tpu.memory_space<hbm>>
      %dma_wait3A_103 = arith.constant 0 : i32
      %dma_wait3A_104 = tpu.memref_slice %arg4[%add3A_77, %dma_wait3A_103] : memref<204800x64xf32, #tpu.memory_space<hbm>> -> memref<800x64xf32, #tpu.memory_space<hbm>>
      tpu.wait_dma2 semaphore(%run_scoped3A : memref<!tpu.dma_semaphore, #tpu.memory_space<semaphore_mem>>) src(%arg7 : memref<800x64xf32, #tpu.memory_space<vmem>>) dst(%dma_wait3A_104 : memref<800x64xf32, #tpu.memory_space<hbm>>)
      tpu.yield
    }) : () -> ()
    %dma_wait3A_78 = arith.constant 4800 : i32
    %dma_wait3A_79 = tpu.memref_slice %arg5[%dma_wait3A_78] : memref<6400xi32, #tpu.memory_space<vmem>> -> memref<800xi32, #tpu.memory_space<vmem>>
    %dma_wait3A_80 = arith.constant 0 : i32
    %dma_wait3A_81 = arith.constant 0 : i32
    %dma_wait3A_82 = tpu.memref_slice %arg2[%dma_wait3A_80, %dma_wait3A_81] : memref<1000000x64xf32, #tpu.memory_space<hbm>> -> memref<1000000x64xf32, #tpu.memory_space<hbm>>
    tpu.wait_indirect_dma semaphore(%arg8 : memref<!tpu.dma_semaphore, #tpu.memory_space<semaphore_mem>>) src(%dma_wait3A_82 : memref<1000000x64xf32, #tpu.memory_space<hbm>>) dst(%arg6 : memref<800x64xf32, #tpu.memory_space<vmem>>)
    %dma_start3A_83 = arith.constant 5600 : i32
    %dma_start3A_84 = tpu.memref_slice %arg5[%dma_start3A_83] : memref<6400xi32, #tpu.memory_space<vmem>> -> memref<800xi32, #tpu.memory_space<vmem>>
    %dma_start3A_85 = arith.constant 0 : i32
    %dma_start3A_86 = arith.constant 0 : i32
    %dma_start3A_87 = tpu.memref_slice %arg2[%dma_start3A_85, %dma_start3A_86] : memref<1000000x64xf32, #tpu.memory_space<hbm>> -> memref<1000000x64xf32, #tpu.memory_space<hbm>>
    tpu.enqueue_indirect_dma source(%dma_start3A_87 : memref<1000000x64xf32, #tpu.memory_space<hbm>>) target(%arg7 : memref<800x64xf32, #tpu.memory_space<vmem>>) offsets(%dma_start3A_84 : memref<800xi32, #tpu.memory_space<vmem>>) semaphore(%arg9 : memref<!tpu.dma_semaphore, #tpu.memory_space<semaphore_mem>>)
    %add3A_88 = arith.constant 4800 : i32
    %add3A_89 = arith.addi %mul3A_2, %add3A_88 : i32
    "tpu.region"() ({
      %run_scoped3A = tpu.sem_alloc : memref<!tpu.dma_semaphore, #tpu.memory_space<semaphore_mem>>
      %dma_start3A_97 = arith.constant 0 : i32
      %dma_start3A_98 = tpu.memref_slice %arg4[%add3A_89, %dma_start3A_97] : memref<204800x64xf32, #tpu.memory_space<hbm>> -> memref<800x64xf32, #tpu.memory_space<hbm>>
      %dma_start3A_99 = arith.constant 0 : i32
      %dma_start3A_100 = tpu.memref_slice %arg4[%add3A_89, %dma_start3A_99] : memref<204800x64xf32, #tpu.memory_space<hbm>> -> memref<800x64xf32, #tpu.memory_space<hbm>>
      tpu.enqueue_dma source(%arg6 : memref<800x64xf32, #tpu.memory_space<vmem>>) target(%dma_start3A_100 : memref<800x64xf32, #tpu.memory_space<hbm>>) target_semaphore(%run_scoped3A : memref<!tpu.dma_semaphore, #tpu.memory_space<semaphore_mem>>)
      %dma_wait3A_101 = arith.constant 0 : i32
      %dma_wait3A_102 = tpu.memref_slice %arg4[%add3A_89, %dma_wait3A_101] : memref<204800x64xf32, #tpu.memory_space<hbm>> -> memref<800x64xf32, #tpu.memory_space<hbm>>
      %dma_wait3A_103 = arith.constant 0 : i32
      %dma_wait3A_104 = tpu.memref_slice %arg4[%add3A_89, %dma_wait3A_103] : memref<204800x64xf32, #tpu.memory_space<hbm>> -> memref<800x64xf32, #tpu.memory_space<hbm>>
      tpu.wait_dma2 semaphore(%run_scoped3A : memref<!tpu.dma_semaphore, #tpu.memory_space<semaphore_mem>>) src(%arg6 : memref<800x64xf32, #tpu.memory_space<vmem>>) dst(%dma_wait3A_104 : memref<800x64xf32, #tpu.memory_space<hbm>>)
      tpu.yield
    }) : () -> ()
    %dma_wait3A_90 = arith.constant 5600 : i32
    %dma_wait3A_91 = tpu.memref_slice %arg5[%dma_wait3A_90] : memref<6400xi32, #tpu.memory_space<vmem>> -> memref<800xi32, #tpu.memory_space<vmem>>
    %dma_wait3A_92 = arith.constant 0 : i32
    %dma_wait3A_93 = arith.constant 0 : i32
    %dma_wait3A_94 = tpu.memref_slice %arg2[%dma_wait3A_92, %dma_wait3A_93] : memref<1000000x64xf32, #tpu.memory_space<hbm>> -> memref<1000000x64xf32, #tpu.memory_space<hbm>>
    tpu.wait_indirect_dma semaphore(%arg9 : memref<!tpu.dma_semaphore, #tpu.memory_space<semaphore_mem>>) src(%dma_wait3A_94 : memref<1000000x64xf32, #tpu.memory_space<hbm>>) dst(%arg7 : memref<800x64xf32, #tpu.memory_space<vmem>>)
    %add3A_95 = arith.constant 5600 : i32
    %add3A_96 = arith.addi %mul3A_2, %add3A_95 : i32
    "tpu.region"() ({
      %run_scoped3A = tpu.sem_alloc : memref<!tpu.dma_semaphore, #tpu.memory_space<semaphore_mem>>
      %dma_start3A_97 = arith.constant 0 : i32
      %dma_start3A_98 = tpu.memref_slice %arg4[%add3A_96, %dma_start3A_97] : memref<204800x64xf32, #tpu.memory_space<hbm>> -> memref<800x64xf32, #tpu.memory_space<hbm>>
      %dma_start3A_99 = arith.constant 0 : i32
      %dma_start3A_100 = tpu.memref_slice %arg4[%add3A_96, %dma_start3A_99] : memref<204800x64xf32, #tpu.memory_space<hbm>> -> memref<800x64xf32, #tpu.memory_space<hbm>>
      tpu.enqueue_dma source(%arg7 : memref<800x64xf32, #tpu.memory_space<vmem>>) target(%dma_start3A_100 : memref<800x64xf32, #tpu.memory_space<hbm>>) target_semaphore(%run_scoped3A : memref<!tpu.dma_semaphore, #tpu.memory_space<semaphore_mem>>)
      %dma_wait3A_101 = arith.constant 0 : i32
      %dma_wait3A_102 = tpu.memref_slice %arg4[%add3A_96, %dma_wait3A_101] : memref<204800x64xf32, #tpu.memory_space<hbm>> -> memref<800x64xf32, #tpu.memory_space<hbm>>
      %dma_wait3A_103 = arith.constant 0 : i32
      %dma_wait3A_104 = tpu.memref_slice %arg4[%add3A_96, %dma_wait3A_103] : memref<204800x64xf32, #tpu.memory_space<hbm>> -> memref<800x64xf32, #tpu.memory_space<hbm>>
      tpu.wait_dma2 semaphore(%run_scoped3A : memref<!tpu.dma_semaphore, #tpu.memory_space<semaphore_mem>>) src(%arg7 : memref<800x64xf32, #tpu.memory_space<vmem>>) dst(%dma_wait3A_104 : memref<800x64xf32, #tpu.memory_space<hbm>>)
      tpu.yield
    }) : () -> ()
    return
  }
}

module attributes {stable_mosaic.version = 14 : i64} {
  func.func @_lstm_body(%arg0: i32, %arg1: i32, %arg2: memref<512x50xi32, #tpu.memory_space<vmem>>, %arg3: memref<512x640xf32, #tpu.memory_space<vmem>>, %arg4: memref<512x64xf32, #tpu.memory_space<vmem>>, %arg5: memref<512x64xf32, #tpu.memory_space<vmem>>, %arg6: memref<64x256xf32, #tpu.memory_space<vmem>>, %arg7: memref<64x256xf32, #tpu.memory_space<vmem>>, %arg8: memref<1x256xf32, #tpu.memory_space<vmem>>, %arg9: memref<512x640xf32, #tpu.memory_space<vmem>>, %arg10: memref<512x64xf32, #tpu.memory_space<vmem>>, %arg11: memref<512x64xf32, #tpu.memory_space<vmem>>, %arg12: memref<512x64xf32, #tpu.memory_space<vmem>>, %arg13: memref<512x64xf32, #tpu.memory_space<vmem>>, %arg14: memref<512x64xf32, #tpu.memory_space<vmem>>) attributes {dimension_semantics = [#tpu.dimension_semantics<arbitrary>, #tpu.dimension_semantics<arbitrary>], iteration_bounds = array<i64: 8, 5>, scalar_prefetch = 0 : i64, scratch_operands = 3 : i64, tpu.core_type = #tpu.core_type<tc>, window_params = [{transform_indices = @transform_0, window_bounds = array<i64: 512, 50>}, {transform_indices = @transform_1, window_bounds = array<i64: 512, 640>}, {transform_indices = @transform_2, window_bounds = array<i64: 512, 64>}, {transform_indices = @transform_3, window_bounds = array<i64: 512, 64>}, {pipeline_mode = #tpu.pipeline_mode<synchronous>, transform_indices = @transform_4, window_bounds = array<i64: 64, 256>}, {pipeline_mode = #tpu.pipeline_mode<synchronous>, transform_indices = @transform_5, window_bounds = array<i64: 64, 256>}, {pipeline_mode = #tpu.pipeline_mode<synchronous>, transform_indices = @transform_6, window_bounds = array<i64: 1, 256>}, {transform_indices = @transform_7, window_bounds = array<i64: 512, 640>}, {transform_indices = @transform_8, window_bounds = array<i64: 512, 64>}, {transform_indices = @transform_9, window_bounds = array<i64: 512, 64>}]} {
    %eq3A = arith.constant 0 : i32
    %eq3A_0 = arith.cmpi eq, %arg1, %eq3A : i32
    %convert_element_type3A = arith.extui %eq3A_0 : i1 to i32
    %cond3A = arith.constant 0 : i32
    %cond3A_1 = arith.cmpi ne, %convert_element_type3A, %cond3A : i32
    scf.if %cond3A_1 {
      %get3A_723 = arith.constant 0 : index
      %get3A_724 = arith.constant 0 : index
      %get3A_725 = vector.load %arg4[%get3A_723, %get3A_724] : memref<512x64xf32, #tpu.memory_space<vmem>>, vector<512x64xf32>
      %swap3A_726 = arith.constant 0 : index
      %swap3A_727 = arith.constant 0 : index
      %swap3A_728 = vector.load %arg12[%swap3A_726, %swap3A_727] : memref<512x64xf32, #tpu.memory_space<vmem>>, vector<512x64xf32>
      tpu.vector_store %arg12[%swap3A_726, %swap3A_727], %get3A_725 {strides = array<i32>} : memref<512x64xf32, #tpu.memory_space<vmem>>, vector<512x64xf32>,
      %get3A_729 = arith.constant 0 : index
      %get3A_730 = arith.constant 0 : index
      %get3A_731 = vector.load %arg5[%get3A_729, %get3A_730] : memref<512x64xf32, #tpu.memory_space<vmem>>, vector<512x64xf32>
      %swap3A_732 = arith.constant 0 : index
      %swap3A_733 = arith.constant 0 : index
      %swap3A_734 = vector.load %arg13[%swap3A_732, %swap3A_733] : memref<512x64xf32, #tpu.memory_space<vmem>>, vector<512x64xf32>
      tpu.vector_store %arg13[%swap3A_732, %swap3A_733], %get3A_731 {strides = array<i32>} : memref<512x64xf32, #tpu.memory_space<vmem>>, vector<512x64xf32>,
      %broadcast_in_dim3A = arith.constant 0.000000e+00 : f32
      %broadcast_in_dim3A_735 = vector.broadcast %broadcast_in_dim3A : f32 to vector<512x64xf32>
      %swap3A_736 = arith.constant 0 : index
      %swap3A_737 = arith.constant 0 : index
      %swap3A_738 = vector.load %arg14[%swap3A_736, %swap3A_737] : memref<512x64xf32, #tpu.memory_space<vmem>>, vector<512x64xf32>
      tpu.vector_store %arg14[%swap3A_736, %swap3A_737], %broadcast_in_dim3A_735 {strides = array<i32>} : memref<512x64xf32, #tpu.memory_space<vmem>>, vector<512x64xf32>,
    } else {
    }
    %get3A = arith.constant 0 : index
    %get3A_2 = arith.constant 0 : index
    %get3A_3 = vector.load %arg12[%get3A, %get3A_2] : memref<512x64xf32, #tpu.memory_space<vmem>>, vector<512x64xf32>
    %get3A_4 = arith.constant 0 : index
    %get3A_5 = arith.constant 0 : index
    %get3A_6 = vector.load %arg13[%get3A_4, %get3A_5] : memref<512x64xf32, #tpu.memory_space<vmem>>, vector<512x64xf32>
    %get3A_7 = arith.constant 0 : index
    %get3A_8 = arith.constant 0 : index
    %get3A_9 = vector.load %arg14[%get3A_7, %get3A_8] : memref<512x64xf32, #tpu.memory_space<vmem>>, vector<512x64xf32>
    %get3A_10 = arith.constant 0 : index
    %get3A_11 = arith.constant 0 : index
    %get3A_12 = vector.load %arg6[%get3A_10, %get3A_11] : memref<64x256xf32, #tpu.memory_space<vmem>>, vector<64x256xf32>
    %get3A_13 = arith.constant 0 : index
    %get3A_14 = arith.constant 0 : index
    %get3A_15 = vector.load %arg7[%get3A_13, %get3A_14] : memref<64x256xf32, #tpu.memory_space<vmem>>, vector<64x256xf32>
    %get3A_16 = arith.constant 0 : index
    %get3A_17 = arith.constant 0 : index
    %get3A_18 = vector.load %arg8[%get3A_16, %get3A_17] : memref<1x256xf32, #tpu.memory_space<vmem>>, vector<1x256xf32>
    %get3A_19 = arith.constant 0 : index
    %get3A_20 = arith.constant 0 : index
    %get3A_21 = vector.load %arg2[%get3A_19, %get3A_20] : memref<512x50xi32, #tpu.memory_space<vmem>>, vector<512x50xi32>
    %ne3A = arith.constant 0 : i32
    %ne3A_22 = vector.broadcast %ne3A : i32 to vector<512x50xi32>
    %ne3A_23 = arith.cmpi ne, %get3A_21, %ne3A_22 : vector<512x50xi32>
    %convert_element_type3A_24 = arith.extui %ne3A_23 : vector<512x50xi1> to vector<512x50xi32>
    %convert_element_type3A_25 = arith.sitofp %convert_element_type3A_24 : vector<512x50xi32> to vector<512x50xf32>
    %iota3A = tpu.iota {dimensions = array<i32: 0>} : vector<50x1xi32>
    %mul3A = arith.constant 10 : i32
    %mul3A_26 = arith.muli %arg1, %mul3A : i32
    %add3A = arith.constant 0 : i32
    %add3A_27 = arith.addi %mul3A_26, %add3A : i32
    %eq3A_28 = vector.broadcast %add3A_27 : i32 to vector<50x1xi32>
    %eq3A_29 = arith.cmpi eq, %iota3A, %eq3A_28 : vector<50x1xi32>
    %convert_element_type3A_30 = arith.extui %eq3A_29 : vector<50x1xi1> to vector<50x1xi32>
    %convert_element_type3A_31 = arith.sitofp %convert_element_type3A_30 : vector<50x1xi32> to vector<50x1xf32>
    %get3A_32 = arith.constant 0 : index
    %get3A_33 = arith.constant 0 : index
    %get3A_34 = vector.load %arg3[%get3A_32, %get3A_33] : memref<512x640xf32, #tpu.memory_space<vmem>>, vector<512x64xf32>
    %dot_general3A = arith.constant dense<0.000000e+00> : vector<512x256xf32>
    %dot_general3A_35 = tpu.matmul %get3A_34, %get3A_12, %dot_general3A {dimension_numbers = #tpu.dot_dimension_numbers<[1], [0], [0], [1], [0, 0, 1, 1], [], []>, transpose_lhs_hint = false} : vector<512x64xf32>, vector<64x256xf32>, vector<512x256xf32> -> vector<512x256xf32>
    %dot_general3A_36 = arith.constant dense<0.000000e+00> : vector<512x256xf32>
    %dot_general3A_37 = tpu.matmul %get3A_3, %get3A_15, %dot_general3A_36 {dimension_numbers = #tpu.dot_dimension_numbers<[1], [0], [0], [1], [0, 0, 1, 1], [], []>, transpose_lhs_hint = false} : vector<512x64xf32>, vector<64x256xf32>, vector<512x256xf32> -> vector<512x256xf32>
    %add3A_38 = arith.addf %dot_general3A_35, %dot_general3A_37 : vector<512x256xf32>
    %add3A_39 = vector.broadcast %get3A_18 : vector<1x256xf32> to vector<512x256xf32>
    %add3A_40 = arith.addf %add3A_38, %add3A_39 : vector<512x256xf32>
    %slice3A = vector.extract_strided_slice %add3A_40 {offsets = [0, 0], sizes = [512, 64], strides = [1, 1]} : vector<512x256xf32> to vector<512x64xf32>
    %logistic3A = arith.negf %slice3A : vector<512x64xf32>
    %logistic3A_41 = math.exp %logistic3A : vector<512x64xf32>
    %logistic3A_42 = arith.constant 1.000000e+00 : f32
    %logistic3A_43 = vector.broadcast %logistic3A_42 : f32 to vector<512x64xf32>
    %logistic3A_44 = arith.addf %logistic3A_43, %logistic3A_41 : vector<512x64xf32>
    %logistic3A_45 = arith.divf %logistic3A_43, %logistic3A_44 : vector<512x64xf32>
    %slice3A_46 = vector.extract_strided_slice %add3A_40 {offsets = [0, 64], sizes = [512, 64], strides = [1, 1]} : vector<512x256xf32> to vector<512x64xf32>
    %logistic3A_47 = arith.negf %slice3A_46 : vector<512x64xf32>
    %logistic3A_48 = math.exp %logistic3A_47 : vector<512x64xf32>
    %logistic3A_49 = arith.constant 1.000000e+00 : f32
    %logistic3A_50 = vector.broadcast %logistic3A_49 : f32 to vector<512x64xf32>
    %logistic3A_51 = arith.addf %logistic3A_50, %logistic3A_48 : vector<512x64xf32>
    %logistic3A_52 = arith.divf %logistic3A_50, %logistic3A_51 : vector<512x64xf32>
    %slice3A_53 = vector.extract_strided_slice %add3A_40 {offsets = [0, 128], sizes = [512, 64], strides = [1, 1]} : vector<512x256xf32> to vector<512x64xf32>
    %tanh3A = math.tanh %slice3A_53 : vector<512x64xf32>
    %slice3A_54 = vector.extract_strided_slice %add3A_40 {offsets = [0, 192], sizes = [512, 64], strides = [1, 1]} : vector<512x256xf32> to vector<512x64xf32>
    %logistic3A_55 = arith.negf %slice3A_54 : vector<512x64xf32>
    %logistic3A_56 = math.exp %logistic3A_55 : vector<512x64xf32>
    %logistic3A_57 = arith.constant 1.000000e+00 : f32
    %logistic3A_58 = vector.broadcast %logistic3A_57 : f32 to vector<512x64xf32>
    %logistic3A_59 = arith.addf %logistic3A_58, %logistic3A_56 : vector<512x64xf32>
    %logistic3A_60 = arith.divf %logistic3A_58, %logistic3A_59 : vector<512x64xf32>
    %mul3A_61 = arith.mulf %logistic3A_52, %get3A_6 : vector<512x64xf32>
    %mul3A_62 = arith.mulf %logistic3A_45, %tanh3A : vector<512x64xf32>
    %add3A_63 = arith.addf %mul3A_61, %mul3A_62 : vector<512x64xf32>
    %tanh3A_64 = math.tanh %add3A_63 : vector<512x64xf32>
    %mul3A_65 = arith.mulf %logistic3A_60, %tanh3A_64 : vector<512x64xf32>
    %dot_general3A_66 = arith.constant dense<0.000000e+00> : vector<512x1xf32>
    %dot_general3A_67 = tpu.matmul %convert_element_type3A_25, %convert_element_type3A_31, %dot_general3A_66 {dimension_numbers = #tpu.dot_dimension_numbers<[1], [0], [0], [1], [0, 0, 1, 1], [], []>, transpose_lhs_hint = false} : vector<512x50xf32>, vector<50x1xf32>, vector<512x1xf32> -> vector<512x1xf32>
    %sub3A = arith.constant 1.000000e+00 : f32
    %sub3A_68 = vector.broadcast %sub3A : f32 to vector<512x1xf32>
    %sub3A_69 = arith.subf %sub3A_68, %dot_general3A_67 : vector<512x1xf32>
    %mul3A_70 = vector.broadcast %dot_general3A_67 : vector<512x1xf32> to vector<512x64xf32>
    %mul3A_71 = arith.mulf %mul3A_70, %mul3A_65 : vector<512x64xf32>
    %mul3A_72 = vector.broadcast %sub3A_69 : vector<512x1xf32> to vector<512x64xf32>
    %mul3A_73 = arith.mulf %mul3A_72, %get3A_3 : vector<512x64xf32>
    %add3A_74 = arith.addf %mul3A_71, %mul3A_73 : vector<512x64xf32>
    %mul3A_75 = vector.broadcast %dot_general3A_67 : vector<512x1xf32> to vector<512x64xf32>
    %mul3A_76 = arith.mulf %mul3A_75, %add3A_63 : vector<512x64xf32>
    %mul3A_77 = vector.broadcast %sub3A_69 : vector<512x1xf32> to vector<512x64xf32>
    %mul3A_78 = arith.mulf %mul3A_77, %get3A_6 : vector<512x64xf32>
    %add3A_79 = arith.addf %mul3A_76, %mul3A_78 : vector<512x64xf32>
    %mul3A_80 = vector.broadcast %dot_general3A_67 : vector<512x1xf32> to vector<512x64xf32>
    %mul3A_81 = arith.mulf %mul3A_80, %mul3A_65 : vector<512x64xf32>
    %mul3A_82 = vector.broadcast %sub3A_69 : vector<512x1xf32> to vector<512x64xf32>
    %mul3A_83 = arith.mulf %mul3A_82, %get3A_9 : vector<512x64xf32>
    %add3A_84 = arith.addf %mul3A_81, %mul3A_83 : vector<512x64xf32>
    %swap3A = arith.constant 0 : index
    %swap3A_85 = arith.constant 0 : index
    %swap3A_86 = vector.load %arg9[%swap3A, %swap3A_85] : memref<512x640xf32, #tpu.memory_space<vmem>>, vector<512x64xf32>
    tpu.vector_store %arg9[%swap3A, %swap3A_85], %add3A_84 {strides = array<i32>} : memref<512x640xf32, #tpu.memory_space<vmem>>, vector<512x64xf32>,
    %mul3A_87 = arith.constant 10 : i32
    %mul3A_88 = arith.muli %arg1, %mul3A_87 : i32
    %add3A_89 = arith.constant 1 : i32
    %add3A_90 = arith.addi %mul3A_88, %add3A_89 : i32
    %eq3A_91 = vector.broadcast %add3A_90 : i32 to vector<50x1xi32>
    %eq3A_92 = arith.cmpi eq, %iota3A, %eq3A_91 : vector<50x1xi32>
    %convert_element_type3A_93 = arith.extui %eq3A_92 : vector<50x1xi1> to vector<50x1xi32>
    %convert_element_type3A_94 = arith.sitofp %convert_element_type3A_93 : vector<50x1xi32> to vector<50x1xf32>
    %get3A_95 = arith.constant 0 : index
    %get3A_96 = arith.constant 64 : index
    %get3A_97 = vector.load %arg3[%get3A_95, %get3A_96] : memref<512x640xf32, #tpu.memory_space<vmem>>, vector<512x64xf32>
    %dot_general3A_98 = arith.constant dense<0.000000e+00> : vector<512x256xf32>
    %dot_general3A_99 = tpu.matmul %get3A_97, %get3A_12, %dot_general3A_98 {dimension_numbers = #tpu.dot_dimension_numbers<[1], [0], [0], [1], [0, 0, 1, 1], [], []>, transpose_lhs_hint = false} : vector<512x64xf32>, vector<64x256xf32>, vector<512x256xf32> -> vector<512x256xf32>
    %dot_general3A_100 = arith.constant dense<0.000000e+00> : vector<512x256xf32>
    %dot_general3A_101 = tpu.matmul %add3A_74, %get3A_15, %dot_general3A_100 {dimension_numbers = #tpu.dot_dimension_numbers<[1], [0], [0], [1], [0, 0, 1, 1], [], []>, transpose_lhs_hint = false} : vector<512x64xf32>, vector<64x256xf32>, vector<512x256xf32> -> vector<512x256xf32>
    %add3A_102 = arith.addf %dot_general3A_99, %dot_general3A_101 : vector<512x256xf32>
    %add3A_103 = vector.broadcast %get3A_18 : vector<1x256xf32> to vector<512x256xf32>
    %add3A_104 = arith.addf %add3A_102, %add3A_103 : vector<512x256xf32>
    %slice3A_105 = vector.extract_strided_slice %add3A_104 {offsets = [0, 0], sizes = [512, 64], strides = [1, 1]} : vector<512x256xf32> to vector<512x64xf32>
    %logistic3A_106 = arith.negf %slice3A_105 : vector<512x64xf32>
    %logistic3A_107 = math.exp %logistic3A_106 : vector<512x64xf32>
    %logistic3A_108 = arith.constant 1.000000e+00 : f32
    %logistic3A_109 = vector.broadcast %logistic3A_108 : f32 to vector<512x64xf32>
    %logistic3A_110 = arith.addf %logistic3A_109, %logistic3A_107 : vector<512x64xf32>
    %logistic3A_111 = arith.divf %logistic3A_109, %logistic3A_110 : vector<512x64xf32>
    %slice3A_112 = vector.extract_strided_slice %add3A_104 {offsets = [0, 64], sizes = [512, 64], strides = [1, 1]} : vector<512x256xf32> to vector<512x64xf32>
    %logistic3A_113 = arith.negf %slice3A_112 : vector<512x64xf32>
    %logistic3A_114 = math.exp %logistic3A_113 : vector<512x64xf32>
    %logistic3A_115 = arith.constant 1.000000e+00 : f32
    %logistic3A_116 = vector.broadcast %logistic3A_115 : f32 to vector<512x64xf32>
    %logistic3A_117 = arith.addf %logistic3A_116, %logistic3A_114 : vector<512x64xf32>
    %logistic3A_118 = arith.divf %logistic3A_116, %logistic3A_117 : vector<512x64xf32>
    %slice3A_119 = vector.extract_strided_slice %add3A_104 {offsets = [0, 128], sizes = [512, 64], strides = [1, 1]} : vector<512x256xf32> to vector<512x64xf32>
    %tanh3A_120 = math.tanh %slice3A_119 : vector<512x64xf32>
    %slice3A_121 = vector.extract_strided_slice %add3A_104 {offsets = [0, 192], sizes = [512, 64], strides = [1, 1]} : vector<512x256xf32> to vector<512x64xf32>
    %logistic3A_122 = arith.negf %slice3A_121 : vector<512x64xf32>
    %logistic3A_123 = math.exp %logistic3A_122 : vector<512x64xf32>
    %logistic3A_124 = arith.constant 1.000000e+00 : f32
    %logistic3A_125 = vector.broadcast %logistic3A_124 : f32 to vector<512x64xf32>
    %logistic3A_126 = arith.addf %logistic3A_125, %logistic3A_123 : vector<512x64xf32>
    %logistic3A_127 = arith.divf %logistic3A_125, %logistic3A_126 : vector<512x64xf32>
    %mul3A_128 = arith.mulf %logistic3A_118, %add3A_79 : vector<512x64xf32>
    %mul3A_129 = arith.mulf %logistic3A_111, %tanh3A_120 : vector<512x64xf32>
    %add3A_130 = arith.addf %mul3A_128, %mul3A_129 : vector<512x64xf32>
    %tanh3A_131 = math.tanh %add3A_130 : vector<512x64xf32>
    %mul3A_132 = arith.mulf %logistic3A_127, %tanh3A_131 : vector<512x64xf32>
    %dot_general3A_133 = arith.constant dense<0.000000e+00> : vector<512x1xf32>
    %dot_general3A_134 = tpu.matmul %convert_element_type3A_25, %convert_element_type3A_94, %dot_general3A_133 {dimension_numbers = #tpu.dot_dimension_numbers<[1], [0], [0], [1], [0, 0, 1, 1], [], []>, transpose_lhs_hint = false} : vector<512x50xf32>, vector<50x1xf32>, vector<512x1xf32> -> vector<512x1xf32>
    %sub3A_135 = arith.constant 1.000000e+00 : f32
    %sub3A_136 = vector.broadcast %sub3A_135 : f32 to vector<512x1xf32>
    %sub3A_137 = arith.subf %sub3A_136, %dot_general3A_134 : vector<512x1xf32>
    %mul3A_138 = vector.broadcast %dot_general3A_134 : vector<512x1xf32> to vector<512x64xf32>
    %mul3A_139 = arith.mulf %mul3A_138, %mul3A_132 : vector<512x64xf32>
    %mul3A_140 = vector.broadcast %sub3A_137 : vector<512x1xf32> to vector<512x64xf32>
    %mul3A_141 = arith.mulf %mul3A_140, %add3A_74 : vector<512x64xf32>
    %add3A_142 = arith.addf %mul3A_139, %mul3A_141 : vector<512x64xf32>
    %mul3A_143 = vector.broadcast %dot_general3A_134 : vector<512x1xf32> to vector<512x64xf32>
    %mul3A_144 = arith.mulf %mul3A_143, %add3A_130 : vector<512x64xf32>
    %mul3A_145 = vector.broadcast %sub3A_137 : vector<512x1xf32> to vector<512x64xf32>
    %mul3A_146 = arith.mulf %mul3A_145, %add3A_79 : vector<512x64xf32>
    %add3A_147 = arith.addf %mul3A_144, %mul3A_146 : vector<512x64xf32>
    %mul3A_148 = vector.broadcast %dot_general3A_134 : vector<512x1xf32> to vector<512x64xf32>
    %mul3A_149 = arith.mulf %mul3A_148, %mul3A_132 : vector<512x64xf32>
    %mul3A_150 = vector.broadcast %sub3A_137 : vector<512x1xf32> to vector<512x64xf32>
    %mul3A_151 = arith.mulf %mul3A_150, %add3A_84 : vector<512x64xf32>
    %add3A_152 = arith.addf %mul3A_149, %mul3A_151 : vector<512x64xf32>
    %swap3A_153 = arith.constant 0 : index
    %swap3A_154 = arith.constant 64 : index
    %swap3A_155 = vector.load %arg9[%swap3A_153, %swap3A_154] : memref<512x640xf32, #tpu.memory_space<vmem>>, vector<512x64xf32>
    tpu.vector_store %arg9[%swap3A_153, %swap3A_154], %add3A_152 {strides = array<i32>} : memref<512x640xf32, #tpu.memory_space<vmem>>, vector<512x64xf32>,
    %mul3A_156 = arith.constant 10 : i32
    %mul3A_157 = arith.muli %arg1, %mul3A_156 : i32
    %add3A_158 = arith.constant 2 : i32
    %add3A_159 = arith.addi %mul3A_157, %add3A_158 : i32
    %eq3A_160 = vector.broadcast %add3A_159 : i32 to vector<50x1xi32>
    %eq3A_161 = arith.cmpi eq, %iota3A, %eq3A_160 : vector<50x1xi32>
    %convert_element_type3A_162 = arith.extui %eq3A_161 : vector<50x1xi1> to vector<50x1xi32>
    %convert_element_type3A_163 = arith.sitofp %convert_element_type3A_162 : vector<50x1xi32> to vector<50x1xf32>
    %get3A_164 = arith.constant 0 : index
    %get3A_165 = arith.constant 128 : index
    %get3A_166 = vector.load %arg3[%get3A_164, %get3A_165] : memref<512x640xf32, #tpu.memory_space<vmem>>, vector<512x64xf32>
    %dot_general3A_167 = arith.constant dense<0.000000e+00> : vector<512x256xf32>
    %dot_general3A_168 = tpu.matmul %get3A_166, %get3A_12, %dot_general3A_167 {dimension_numbers = #tpu.dot_dimension_numbers<[1], [0], [0], [1], [0, 0, 1, 1], [], []>, transpose_lhs_hint = false} : vector<512x64xf32>, vector<64x256xf32>, vector<512x256xf32> -> vector<512x256xf32>
    %dot_general3A_169 = arith.constant dense<0.000000e+00> : vector<512x256xf32>
    %dot_general3A_170 = tpu.matmul %add3A_142, %get3A_15, %dot_general3A_169 {dimension_numbers = #tpu.dot_dimension_numbers<[1], [0], [0], [1], [0, 0, 1, 1], [], []>, transpose_lhs_hint = false} : vector<512x64xf32>, vector<64x256xf32>, vector<512x256xf32> -> vector<512x256xf32>
    %add3A_171 = arith.addf %dot_general3A_168, %dot_general3A_170 : vector<512x256xf32>
    %add3A_172 = vector.broadcast %get3A_18 : vector<1x256xf32> to vector<512x256xf32>
    %add3A_173 = arith.addf %add3A_171, %add3A_172 : vector<512x256xf32>
    %slice3A_174 = vector.extract_strided_slice %add3A_173 {offsets = [0, 0], sizes = [512, 64], strides = [1, 1]} : vector<512x256xf32> to vector<512x64xf32>
    %logistic3A_175 = arith.negf %slice3A_174 : vector<512x64xf32>
    %logistic3A_176 = math.exp %logistic3A_175 : vector<512x64xf32>
    %logistic3A_177 = arith.constant 1.000000e+00 : f32
    %logistic3A_178 = vector.broadcast %logistic3A_177 : f32 to vector<512x64xf32>
    %logistic3A_179 = arith.addf %logistic3A_178, %logistic3A_176 : vector<512x64xf32>
    %logistic3A_180 = arith.divf %logistic3A_178, %logistic3A_179 : vector<512x64xf32>
    %slice3A_181 = vector.extract_strided_slice %add3A_173 {offsets = [0, 64], sizes = [512, 64], strides = [1, 1]} : vector<512x256xf32> to vector<512x64xf32>
    %logistic3A_182 = arith.negf %slice3A_181 : vector<512x64xf32>
    %logistic3A_183 = math.exp %logistic3A_182 : vector<512x64xf32>
    %logistic3A_184 = arith.constant 1.000000e+00 : f32
    %logistic3A_185 = vector.broadcast %logistic3A_184 : f32 to vector<512x64xf32>
    %logistic3A_186 = arith.addf %logistic3A_185, %logistic3A_183 : vector<512x64xf32>
    %logistic3A_187 = arith.divf %logistic3A_185, %logistic3A_186 : vector<512x64xf32>
    %slice3A_188 = vector.extract_strided_slice %add3A_173 {offsets = [0, 128], sizes = [512, 64], strides = [1, 1]} : vector<512x256xf32> to vector<512x64xf32>
    %tanh3A_189 = math.tanh %slice3A_188 : vector<512x64xf32>
    %slice3A_190 = vector.extract_strided_slice %add3A_173 {offsets = [0, 192], sizes = [512, 64], strides = [1, 1]} : vector<512x256xf32> to vector<512x64xf32>
    %logistic3A_191 = arith.negf %slice3A_190 : vector<512x64xf32>
    %logistic3A_192 = math.exp %logistic3A_191 : vector<512x64xf32>
    %logistic3A_193 = arith.constant 1.000000e+00 : f32
    %logistic3A_194 = vector.broadcast %logistic3A_193 : f32 to vector<512x64xf32>
    %logistic3A_195 = arith.addf %logistic3A_194, %logistic3A_192 : vector<512x64xf32>
    %logistic3A_196 = arith.divf %logistic3A_194, %logistic3A_195 : vector<512x64xf32>
    %mul3A_197 = arith.mulf %logistic3A_187, %add3A_147 : vector<512x64xf32>
    %mul3A_198 = arith.mulf %logistic3A_180, %tanh3A_189 : vector<512x64xf32>
    %add3A_199 = arith.addf %mul3A_197, %mul3A_198 : vector<512x64xf32>
    %tanh3A_200 = math.tanh %add3A_199 : vector<512x64xf32>
    %mul3A_201 = arith.mulf %logistic3A_196, %tanh3A_200 : vector<512x64xf32>
    %dot_general3A_202 = arith.constant dense<0.000000e+00> : vector<512x1xf32>
    %dot_general3A_203 = tpu.matmul %convert_element_type3A_25, %convert_element_type3A_163, %dot_general3A_202 {dimension_numbers = #tpu.dot_dimension_numbers<[1], [0], [0], [1], [0, 0, 1, 1], [], []>, transpose_lhs_hint = false} : vector<512x50xf32>, vector<50x1xf32>, vector<512x1xf32> -> vector<512x1xf32>
    %sub3A_204 = arith.constant 1.000000e+00 : f32
    %sub3A_205 = vector.broadcast %sub3A_204 : f32 to vector<512x1xf32>
    %sub3A_206 = arith.subf %sub3A_205, %dot_general3A_203 : vector<512x1xf32>
    %mul3A_207 = vector.broadcast %dot_general3A_203 : vector<512x1xf32> to vector<512x64xf32>
    %mul3A_208 = arith.mulf %mul3A_207, %mul3A_201 : vector<512x64xf32>
    %mul3A_209 = vector.broadcast %sub3A_206 : vector<512x1xf32> to vector<512x64xf32>
    %mul3A_210 = arith.mulf %mul3A_209, %add3A_142 : vector<512x64xf32>
    %add3A_211 = arith.addf %mul3A_208, %mul3A_210 : vector<512x64xf32>
    %mul3A_212 = vector.broadcast %dot_general3A_203 : vector<512x1xf32> to vector<512x64xf32>
    %mul3A_213 = arith.mulf %mul3A_212, %add3A_199 : vector<512x64xf32>
    %mul3A_214 = vector.broadcast %sub3A_206 : vector<512x1xf32> to vector<512x64xf32>
    %mul3A_215 = arith.mulf %mul3A_214, %add3A_147 : vector<512x64xf32>
    %add3A_216 = arith.addf %mul3A_213, %mul3A_215 : vector<512x64xf32>
    %mul3A_217 = vector.broadcast %dot_general3A_203 : vector<512x1xf32> to vector<512x64xf32>
    %mul3A_218 = arith.mulf %mul3A_217, %mul3A_201 : vector<512x64xf32>
    %mul3A_219 = vector.broadcast %sub3A_206 : vector<512x1xf32> to vector<512x64xf32>
    %mul3A_220 = arith.mulf %mul3A_219, %add3A_152 : vector<512x64xf32>
    %add3A_221 = arith.addf %mul3A_218, %mul3A_220 : vector<512x64xf32>
    %swap3A_222 = arith.constant 0 : index
    %swap3A_223 = arith.constant 128 : index
    %swap3A_224 = vector.load %arg9[%swap3A_222, %swap3A_223] : memref<512x640xf32, #tpu.memory_space<vmem>>, vector<512x64xf32>
    tpu.vector_store %arg9[%swap3A_222, %swap3A_223], %add3A_221 {strides = array<i32>} : memref<512x640xf32, #tpu.memory_space<vmem>>, vector<512x64xf32>,
    %mul3A_225 = arith.constant 10 : i32
    %mul3A_226 = arith.muli %arg1, %mul3A_225 : i32
    %add3A_227 = arith.constant 3 : i32
    %add3A_228 = arith.addi %mul3A_226, %add3A_227 : i32
    %eq3A_229 = vector.broadcast %add3A_228 : i32 to vector<50x1xi32>
    %eq3A_230 = arith.cmpi eq, %iota3A, %eq3A_229 : vector<50x1xi32>
    %convert_element_type3A_231 = arith.extui %eq3A_230 : vector<50x1xi1> to vector<50x1xi32>
    %convert_element_type3A_232 = arith.sitofp %convert_element_type3A_231 : vector<50x1xi32> to vector<50x1xf32>
    %get3A_233 = arith.constant 0 : index
    %get3A_234 = arith.constant 192 : index
    %get3A_235 = vector.load %arg3[%get3A_233, %get3A_234] : memref<512x640xf32, #tpu.memory_space<vmem>>, vector<512x64xf32>
    %dot_general3A_236 = arith.constant dense<0.000000e+00> : vector<512x256xf32>
    %dot_general3A_237 = tpu.matmul %get3A_235, %get3A_12, %dot_general3A_236 {dimension_numbers = #tpu.dot_dimension_numbers<[1], [0], [0], [1], [0, 0, 1, 1], [], []>, transpose_lhs_hint = false} : vector<512x64xf32>, vector<64x256xf32>, vector<512x256xf32> -> vector<512x256xf32>
    %dot_general3A_238 = arith.constant dense<0.000000e+00> : vector<512x256xf32>
    %dot_general3A_239 = tpu.matmul %add3A_211, %get3A_15, %dot_general3A_238 {dimension_numbers = #tpu.dot_dimension_numbers<[1], [0], [0], [1], [0, 0, 1, 1], [], []>, transpose_lhs_hint = false} : vector<512x64xf32>, vector<64x256xf32>, vector<512x256xf32> -> vector<512x256xf32>
    %add3A_240 = arith.addf %dot_general3A_237, %dot_general3A_239 : vector<512x256xf32>
    %add3A_241 = vector.broadcast %get3A_18 : vector<1x256xf32> to vector<512x256xf32>
    %add3A_242 = arith.addf %add3A_240, %add3A_241 : vector<512x256xf32>
    %slice3A_243 = vector.extract_strided_slice %add3A_242 {offsets = [0, 0], sizes = [512, 64], strides = [1, 1]} : vector<512x256xf32> to vector<512x64xf32>
    %logistic3A_244 = arith.negf %slice3A_243 : vector<512x64xf32>
    %logistic3A_245 = math.exp %logistic3A_244 : vector<512x64xf32>
    %logistic3A_246 = arith.constant 1.000000e+00 : f32
    %logistic3A_247 = vector.broadcast %logistic3A_246 : f32 to vector<512x64xf32>
    %logistic3A_248 = arith.addf %logistic3A_247, %logistic3A_245 : vector<512x64xf32>
    %logistic3A_249 = arith.divf %logistic3A_247, %logistic3A_248 : vector<512x64xf32>
    %slice3A_250 = vector.extract_strided_slice %add3A_242 {offsets = [0, 64], sizes = [512, 64], strides = [1, 1]} : vector<512x256xf32> to vector<512x64xf32>
    %logistic3A_251 = arith.negf %slice3A_250 : vector<512x64xf32>
    %logistic3A_252 = math.exp %logistic3A_251 : vector<512x64xf32>
    %logistic3A_253 = arith.constant 1.000000e+00 : f32
    %logistic3A_254 = vector.broadcast %logistic3A_253 : f32 to vector<512x64xf32>
    %logistic3A_255 = arith.addf %logistic3A_254, %logistic3A_252 : vector<512x64xf32>
    %logistic3A_256 = arith.divf %logistic3A_254, %logistic3A_255 : vector<512x64xf32>
    %slice3A_257 = vector.extract_strided_slice %add3A_242 {offsets = [0, 128], sizes = [512, 64], strides = [1, 1]} : vector<512x256xf32> to vector<512x64xf32>
    %tanh3A_258 = math.tanh %slice3A_257 : vector<512x64xf32>
    %slice3A_259 = vector.extract_strided_slice %add3A_242 {offsets = [0, 192], sizes = [512, 64], strides = [1, 1]} : vector<512x256xf32> to vector<512x64xf32>
    %logistic3A_260 = arith.negf %slice3A_259 : vector<512x64xf32>
    %logistic3A_261 = math.exp %logistic3A_260 : vector<512x64xf32>
    %logistic3A_262 = arith.constant 1.000000e+00 : f32
    %logistic3A_263 = vector.broadcast %logistic3A_262 : f32 to vector<512x64xf32>
    %logistic3A_264 = arith.addf %logistic3A_263, %logistic3A_261 : vector<512x64xf32>
    %logistic3A_265 = arith.divf %logistic3A_263, %logistic3A_264 : vector<512x64xf32>
    %mul3A_266 = arith.mulf %logistic3A_256, %add3A_216 : vector<512x64xf32>
    %mul3A_267 = arith.mulf %logistic3A_249, %tanh3A_258 : vector<512x64xf32>
    %add3A_268 = arith.addf %mul3A_266, %mul3A_267 : vector<512x64xf32>
    %tanh3A_269 = math.tanh %add3A_268 : vector<512x64xf32>
    %mul3A_270 = arith.mulf %logistic3A_265, %tanh3A_269 : vector<512x64xf32>
    %dot_general3A_271 = arith.constant dense<0.000000e+00> : vector<512x1xf32>
    %dot_general3A_272 = tpu.matmul %convert_element_type3A_25, %convert_element_type3A_232, %dot_general3A_271 {dimension_numbers = #tpu.dot_dimension_numbers<[1], [0], [0], [1], [0, 0, 1, 1], [], []>, transpose_lhs_hint = false} : vector<512x50xf32>, vector<50x1xf32>, vector<512x1xf32> -> vector<512x1xf32>
    %sub3A_273 = arith.constant 1.000000e+00 : f32
    %sub3A_274 = vector.broadcast %sub3A_273 : f32 to vector<512x1xf32>
    %sub3A_275 = arith.subf %sub3A_274, %dot_general3A_272 : vector<512x1xf32>
    %mul3A_276 = vector.broadcast %dot_general3A_272 : vector<512x1xf32> to vector<512x64xf32>
    %mul3A_277 = arith.mulf %mul3A_276, %mul3A_270 : vector<512x64xf32>
    %mul3A_278 = vector.broadcast %sub3A_275 : vector<512x1xf32> to vector<512x64xf32>
    %mul3A_279 = arith.mulf %mul3A_278, %add3A_211 : vector<512x64xf32>
    %add3A_280 = arith.addf %mul3A_277, %mul3A_279 : vector<512x64xf32>
    %mul3A_281 = vector.broadcast %dot_general3A_272 : vector<512x1xf32> to vector<512x64xf32>
    %mul3A_282 = arith.mulf %mul3A_281, %add3A_268 : vector<512x64xf32>
    %mul3A_283 = vector.broadcast %sub3A_275 : vector<512x1xf32> to vector<512x64xf32>
    %mul3A_284 = arith.mulf %mul3A_283, %add3A_216 : vector<512x64xf32>
    %add3A_285 = arith.addf %mul3A_282, %mul3A_284 : vector<512x64xf32>
    %mul3A_286 = vector.broadcast %dot_general3A_272 : vector<512x1xf32> to vector<512x64xf32>
    %mul3A_287 = arith.mulf %mul3A_286, %mul3A_270 : vector<512x64xf32>
    %mul3A_288 = vector.broadcast %sub3A_275 : vector<512x1xf32> to vector<512x64xf32>
    %mul3A_289 = arith.mulf %mul3A_288, %add3A_221 : vector<512x64xf32>
    %add3A_290 = arith.addf %mul3A_287, %mul3A_289 : vector<512x64xf32>
    %swap3A_291 = arith.constant 0 : index
    %swap3A_292 = arith.constant 192 : index
    %swap3A_293 = vector.load %arg9[%swap3A_291, %swap3A_292] : memref<512x640xf32, #tpu.memory_space<vmem>>, vector<512x64xf32>
    tpu.vector_store %arg9[%swap3A_291, %swap3A_292], %add3A_290 {strides = array<i32>} : memref<512x640xf32, #tpu.memory_space<vmem>>, vector<512x64xf32>,
    %mul3A_294 = arith.constant 10 : i32
    %mul3A_295 = arith.muli %arg1, %mul3A_294 : i32
    %add3A_296 = arith.constant 4 : i32
    %add3A_297 = arith.addi %mul3A_295, %add3A_296 : i32
    %eq3A_298 = vector.broadcast %add3A_297 : i32 to vector<50x1xi32>
    %eq3A_299 = arith.cmpi eq, %iota3A, %eq3A_298 : vector<50x1xi32>
    %convert_element_type3A_300 = arith.extui %eq3A_299 : vector<50x1xi1> to vector<50x1xi32>
    %convert_element_type3A_301 = arith.sitofp %convert_element_type3A_300 : vector<50x1xi32> to vector<50x1xf32>
    %get3A_302 = arith.constant 0 : index
    %get3A_303 = arith.constant 256 : index
    %get3A_304 = vector.load %arg3[%get3A_302, %get3A_303] : memref<512x640xf32, #tpu.memory_space<vmem>>, vector<512x64xf32>
    %dot_general3A_305 = arith.constant dense<0.000000e+00> : vector<512x256xf32>
    %dot_general3A_306 = tpu.matmul %get3A_304, %get3A_12, %dot_general3A_305 {dimension_numbers = #tpu.dot_dimension_numbers<[1], [0], [0], [1], [0, 0, 1, 1], [], []>, transpose_lhs_hint = false} : vector<512x64xf32>, vector<64x256xf32>, vector<512x256xf32> -> vector<512x256xf32>
    %dot_general3A_307 = arith.constant dense<0.000000e+00> : vector<512x256xf32>
    %dot_general3A_308 = tpu.matmul %add3A_280, %get3A_15, %dot_general3A_307 {dimension_numbers = #tpu.dot_dimension_numbers<[1], [0], [0], [1], [0, 0, 1, 1], [], []>, transpose_lhs_hint = false} : vector<512x64xf32>, vector<64x256xf32>, vector<512x256xf32> -> vector<512x256xf32>
    %add3A_309 = arith.addf %dot_general3A_306, %dot_general3A_308 : vector<512x256xf32>
    %add3A_310 = vector.broadcast %get3A_18 : vector<1x256xf32> to vector<512x256xf32>
    %add3A_311 = arith.addf %add3A_309, %add3A_310 : vector<512x256xf32>
    %slice3A_312 = vector.extract_strided_slice %add3A_311 {offsets = [0, 0], sizes = [512, 64], strides = [1, 1]} : vector<512x256xf32> to vector<512x64xf32>
    %logistic3A_313 = arith.negf %slice3A_312 : vector<512x64xf32>
    %logistic3A_314 = math.exp %logistic3A_313 : vector<512x64xf32>
    %logistic3A_315 = arith.constant 1.000000e+00 : f32
    %logistic3A_316 = vector.broadcast %logistic3A_315 : f32 to vector<512x64xf32>
    %logistic3A_317 = arith.addf %logistic3A_316, %logistic3A_314 : vector<512x64xf32>
    %logistic3A_318 = arith.divf %logistic3A_316, %logistic3A_317 : vector<512x64xf32>
    %slice3A_319 = vector.extract_strided_slice %add3A_311 {offsets = [0, 64], sizes = [512, 64], strides = [1, 1]} : vector<512x256xf32> to vector<512x64xf32>
    %logistic3A_320 = arith.negf %slice3A_319 : vector<512x64xf32>
    %logistic3A_321 = math.exp %logistic3A_320 : vector<512x64xf32>
    %logistic3A_322 = arith.constant 1.000000e+00 : f32
    %logistic3A_323 = vector.broadcast %logistic3A_322 : f32 to vector<512x64xf32>
    %logistic3A_324 = arith.addf %logistic3A_323, %logistic3A_321 : vector<512x64xf32>
    %logistic3A_325 = arith.divf %logistic3A_323, %logistic3A_324 : vector<512x64xf32>
    %slice3A_326 = vector.extract_strided_slice %add3A_311 {offsets = [0, 128], sizes = [512, 64], strides = [1, 1]} : vector<512x256xf32> to vector<512x64xf32>
    %tanh3A_327 = math.tanh %slice3A_326 : vector<512x64xf32>
    %slice3A_328 = vector.extract_strided_slice %add3A_311 {offsets = [0, 192], sizes = [512, 64], strides = [1, 1]} : vector<512x256xf32> to vector<512x64xf32>
    %logistic3A_329 = arith.negf %slice3A_328 : vector<512x64xf32>
    %logistic3A_330 = math.exp %logistic3A_329 : vector<512x64xf32>
    %logistic3A_331 = arith.constant 1.000000e+00 : f32
    %logistic3A_332 = vector.broadcast %logistic3A_331 : f32 to vector<512x64xf32>
    %logistic3A_333 = arith.addf %logistic3A_332, %logistic3A_330 : vector<512x64xf32>
    %logistic3A_334 = arith.divf %logistic3A_332, %logistic3A_333 : vector<512x64xf32>
    %mul3A_335 = arith.mulf %logistic3A_325, %add3A_285 : vector<512x64xf32>
    %mul3A_336 = arith.mulf %logistic3A_318, %tanh3A_327 : vector<512x64xf32>
    %add3A_337 = arith.addf %mul3A_335, %mul3A_336 : vector<512x64xf32>
    %tanh3A_338 = math.tanh %add3A_337 : vector<512x64xf32>
    %mul3A_339 = arith.mulf %logistic3A_334, %tanh3A_338 : vector<512x64xf32>
    %dot_general3A_340 = arith.constant dense<0.000000e+00> : vector<512x1xf32>
    %dot_general3A_341 = tpu.matmul %convert_element_type3A_25, %convert_element_type3A_301, %dot_general3A_340 {dimension_numbers = #tpu.dot_dimension_numbers<[1], [0], [0], [1], [0, 0, 1, 1], [], []>, transpose_lhs_hint = false} : vector<512x50xf32>, vector<50x1xf32>, vector<512x1xf32> -> vector<512x1xf32>
    %sub3A_342 = arith.constant 1.000000e+00 : f32
    %sub3A_343 = vector.broadcast %sub3A_342 : f32 to vector<512x1xf32>
    %sub3A_344 = arith.subf %sub3A_343, %dot_general3A_341 : vector<512x1xf32>
    %mul3A_345 = vector.broadcast %dot_general3A_341 : vector<512x1xf32> to vector<512x64xf32>
    %mul3A_346 = arith.mulf %mul3A_345, %mul3A_339 : vector<512x64xf32>
    %mul3A_347 = vector.broadcast %sub3A_344 : vector<512x1xf32> to vector<512x64xf32>
    %mul3A_348 = arith.mulf %mul3A_347, %add3A_280 : vector<512x64xf32>
    %add3A_349 = arith.addf %mul3A_346, %mul3A_348 : vector<512x64xf32>
    %mul3A_350 = vector.broadcast %dot_general3A_341 : vector<512x1xf32> to vector<512x64xf32>
    %mul3A_351 = arith.mulf %mul3A_350, %add3A_337 : vector<512x64xf32>
    %mul3A_352 = vector.broadcast %sub3A_344 : vector<512x1xf32> to vector<512x64xf32>
    %mul3A_353 = arith.mulf %mul3A_352, %add3A_285 : vector<512x64xf32>
    %add3A_354 = arith.addf %mul3A_351, %mul3A_353 : vector<512x64xf32>
    %mul3A_355 = vector.broadcast %dot_general3A_341 : vector<512x1xf32> to vector<512x64xf32>
    %mul3A_356 = arith.mulf %mul3A_355, %mul3A_339 : vector<512x64xf32>
    %mul3A_357 = vector.broadcast %sub3A_344 : vector<512x1xf32> to vector<512x64xf32>
    %mul3A_358 = arith.mulf %mul3A_357, %add3A_290 : vector<512x64xf32>
    %add3A_359 = arith.addf %mul3A_356, %mul3A_358 : vector<512x64xf32>
    %swap3A_360 = arith.constant 0 : index
    %swap3A_361 = arith.constant 256 : index
    %swap3A_362 = vector.load %arg9[%swap3A_360, %swap3A_361] : memref<512x640xf32, #tpu.memory_space<vmem>>, vector<512x64xf32>
    tpu.vector_store %arg9[%swap3A_360, %swap3A_361], %add3A_359 {strides = array<i32>} : memref<512x640xf32, #tpu.memory_space<vmem>>, vector<512x64xf32>,
    %mul3A_363 = arith.constant 10 : i32
    %mul3A_364 = arith.muli %arg1, %mul3A_363 : i32
    %add3A_365 = arith.constant 5 : i32
    %add3A_366 = arith.addi %mul3A_364, %add3A_365 : i32
    %eq3A_367 = vector.broadcast %add3A_366 : i32 to vector<50x1xi32>
    %eq3A_368 = arith.cmpi eq, %iota3A, %eq3A_367 : vector<50x1xi32>
    %convert_element_type3A_369 = arith.extui %eq3A_368 : vector<50x1xi1> to vector<50x1xi32>
    %convert_element_type3A_370 = arith.sitofp %convert_element_type3A_369 : vector<50x1xi32> to vector<50x1xf32>
    %get3A_371 = arith.constant 0 : index
    %get3A_372 = arith.constant 320 : index
    %get3A_373 = vector.load %arg3[%get3A_371, %get3A_372] : memref<512x640xf32, #tpu.memory_space<vmem>>, vector<512x64xf32>
    %dot_general3A_374 = arith.constant dense<0.000000e+00> : vector<512x256xf32>
    %dot_general3A_375 = tpu.matmul %get3A_373, %get3A_12, %dot_general3A_374 {dimension_numbers = #tpu.dot_dimension_numbers<[1], [0], [0], [1], [0, 0, 1, 1], [], []>, transpose_lhs_hint = false} : vector<512x64xf32>, vector<64x256xf32>, vector<512x256xf32> -> vector<512x256xf32>
    %dot_general3A_376 = arith.constant dense<0.000000e+00> : vector<512x256xf32>
    %dot_general3A_377 = tpu.matmul %add3A_349, %get3A_15, %dot_general3A_376 {dimension_numbers = #tpu.dot_dimension_numbers<[1], [0], [0], [1], [0, 0, 1, 1], [], []>, transpose_lhs_hint = false} : vector<512x64xf32>, vector<64x256xf32>, vector<512x256xf32> -> vector<512x256xf32>
    %add3A_378 = arith.addf %dot_general3A_375, %dot_general3A_377 : vector<512x256xf32>
    %add3A_379 = vector.broadcast %get3A_18 : vector<1x256xf32> to vector<512x256xf32>
    %add3A_380 = arith.addf %add3A_378, %add3A_379 : vector<512x256xf32>
    %slice3A_381 = vector.extract_strided_slice %add3A_380 {offsets = [0, 0], sizes = [512, 64], strides = [1, 1]} : vector<512x256xf32> to vector<512x64xf32>
    %logistic3A_382 = arith.negf %slice3A_381 : vector<512x64xf32>
    %logistic3A_383 = math.exp %logistic3A_382 : vector<512x64xf32>
    %logistic3A_384 = arith.constant 1.000000e+00 : f32
    %logistic3A_385 = vector.broadcast %logistic3A_384 : f32 to vector<512x64xf32>
    %logistic3A_386 = arith.addf %logistic3A_385, %logistic3A_383 : vector<512x64xf32>
    %logistic3A_387 = arith.divf %logistic3A_385, %logistic3A_386 : vector<512x64xf32>
    %slice3A_388 = vector.extract_strided_slice %add3A_380 {offsets = [0, 64], sizes = [512, 64], strides = [1, 1]} : vector<512x256xf32> to vector<512x64xf32>
    %logistic3A_389 = arith.negf %slice3A_388 : vector<512x64xf32>
    %logistic3A_390 = math.exp %logistic3A_389 : vector<512x64xf32>
    %logistic3A_391 = arith.constant 1.000000e+00 : f32
    %logistic3A_392 = vector.broadcast %logistic3A_391 : f32 to vector<512x64xf32>
    %logistic3A_393 = arith.addf %logistic3A_392, %logistic3A_390 : vector<512x64xf32>
    %logistic3A_394 = arith.divf %logistic3A_392, %logistic3A_393 : vector<512x64xf32>
    %slice3A_395 = vector.extract_strided_slice %add3A_380 {offsets = [0, 128], sizes = [512, 64], strides = [1, 1]} : vector<512x256xf32> to vector<512x64xf32>
    %tanh3A_396 = math.tanh %slice3A_395 : vector<512x64xf32>
    %slice3A_397 = vector.extract_strided_slice %add3A_380 {offsets = [0, 192], sizes = [512, 64], strides = [1, 1]} : vector<512x256xf32> to vector<512x64xf32>
    %logistic3A_398 = arith.negf %slice3A_397 : vector<512x64xf32>
    %logistic3A_399 = math.exp %logistic3A_398 : vector<512x64xf32>
    %logistic3A_400 = arith.constant 1.000000e+00 : f32
    %logistic3A_401 = vector.broadcast %logistic3A_400 : f32 to vector<512x64xf32>
    %logistic3A_402 = arith.addf %logistic3A_401, %logistic3A_399 : vector<512x64xf32>
    %logistic3A_403 = arith.divf %logistic3A_401, %logistic3A_402 : vector<512x64xf32>
    %mul3A_404 = arith.mulf %logistic3A_394, %add3A_354 : vector<512x64xf32>
    %mul3A_405 = arith.mulf %logistic3A_387, %tanh3A_396 : vector<512x64xf32>
    %add3A_406 = arith.addf %mul3A_404, %mul3A_405 : vector<512x64xf32>
    %tanh3A_407 = math.tanh %add3A_406 : vector<512x64xf32>
    %mul3A_408 = arith.mulf %logistic3A_403, %tanh3A_407 : vector<512x64xf32>
    %dot_general3A_409 = arith.constant dense<0.000000e+00> : vector<512x1xf32>
    %dot_general3A_410 = tpu.matmul %convert_element_type3A_25, %convert_element_type3A_370, %dot_general3A_409 {dimension_numbers = #tpu.dot_dimension_numbers<[1], [0], [0], [1], [0, 0, 1, 1], [], []>, transpose_lhs_hint = false} : vector<512x50xf32>, vector<50x1xf32>, vector<512x1xf32> -> vector<512x1xf32>
    %sub3A_411 = arith.constant 1.000000e+00 : f32
    %sub3A_412 = vector.broadcast %sub3A_411 : f32 to vector<512x1xf32>
    %sub3A_413 = arith.subf %sub3A_412, %dot_general3A_410 : vector<512x1xf32>
    %mul3A_414 = vector.broadcast %dot_general3A_410 : vector<512x1xf32> to vector<512x64xf32>
    %mul3A_415 = arith.mulf %mul3A_414, %mul3A_408 : vector<512x64xf32>
    %mul3A_416 = vector.broadcast %sub3A_413 : vector<512x1xf32> to vector<512x64xf32>
    %mul3A_417 = arith.mulf %mul3A_416, %add3A_349 : vector<512x64xf32>
    %add3A_418 = arith.addf %mul3A_415, %mul3A_417 : vector<512x64xf32>
    %mul3A_419 = vector.broadcast %dot_general3A_410 : vector<512x1xf32> to vector<512x64xf32>
    %mul3A_420 = arith.mulf %mul3A_419, %add3A_406 : vector<512x64xf32>
    %mul3A_421 = vector.broadcast %sub3A_413 : vector<512x1xf32> to vector<512x64xf32>
    %mul3A_422 = arith.mulf %mul3A_421, %add3A_354 : vector<512x64xf32>
    %add3A_423 = arith.addf %mul3A_420, %mul3A_422 : vector<512x64xf32>
    %mul3A_424 = vector.broadcast %dot_general3A_410 : vector<512x1xf32> to vector<512x64xf32>
    %mul3A_425 = arith.mulf %mul3A_424, %mul3A_408 : vector<512x64xf32>
    %mul3A_426 = vector.broadcast %sub3A_413 : vector<512x1xf32> to vector<512x64xf32>
    %mul3A_427 = arith.mulf %mul3A_426, %add3A_359 : vector<512x64xf32>
    %add3A_428 = arith.addf %mul3A_425, %mul3A_427 : vector<512x64xf32>
    %swap3A_429 = arith.constant 0 : index
    %swap3A_430 = arith.constant 320 : index
    %swap3A_431 = vector.load %arg9[%swap3A_429, %swap3A_430] : memref<512x640xf32, #tpu.memory_space<vmem>>, vector<512x64xf32>
    tpu.vector_store %arg9[%swap3A_429, %swap3A_430], %add3A_428 {strides = array<i32>} : memref<512x640xf32, #tpu.memory_space<vmem>>, vector<512x64xf32>,
    %mul3A_432 = arith.constant 10 : i32
    %mul3A_433 = arith.muli %arg1, %mul3A_432 : i32
    %add3A_434 = arith.constant 6 : i32
    %add3A_435 = arith.addi %mul3A_433, %add3A_434 : i32
    %eq3A_436 = vector.broadcast %add3A_435 : i32 to vector<50x1xi32>
    %eq3A_437 = arith.cmpi eq, %iota3A, %eq3A_436 : vector<50x1xi32>
    %convert_element_type3A_438 = arith.extui %eq3A_437 : vector<50x1xi1> to vector<50x1xi32>
    %convert_element_type3A_439 = arith.sitofp %convert_element_type3A_438 : vector<50x1xi32> to vector<50x1xf32>
    %get3A_440 = arith.constant 0 : index
    %get3A_441 = arith.constant 384 : index
    %get3A_442 = vector.load %arg3[%get3A_440, %get3A_441] : memref<512x640xf32, #tpu.memory_space<vmem>>, vector<512x64xf32>
    %dot_general3A_443 = arith.constant dense<0.000000e+00> : vector<512x256xf32>
    %dot_general3A_444 = tpu.matmul %get3A_442, %get3A_12, %dot_general3A_443 {dimension_numbers = #tpu.dot_dimension_numbers<[1], [0], [0], [1], [0, 0, 1, 1], [], []>, transpose_lhs_hint = false} : vector<512x64xf32>, vector<64x256xf32>, vector<512x256xf32> -> vector<512x256xf32>
    %dot_general3A_445 = arith.constant dense<0.000000e+00> : vector<512x256xf32>
    %dot_general3A_446 = tpu.matmul %add3A_418, %get3A_15, %dot_general3A_445 {dimension_numbers = #tpu.dot_dimension_numbers<[1], [0], [0], [1], [0, 0, 1, 1], [], []>, transpose_lhs_hint = false} : vector<512x64xf32>, vector<64x256xf32>, vector<512x256xf32> -> vector<512x256xf32>
    %add3A_447 = arith.addf %dot_general3A_444, %dot_general3A_446 : vector<512x256xf32>
    %add3A_448 = vector.broadcast %get3A_18 : vector<1x256xf32> to vector<512x256xf32>
    %add3A_449 = arith.addf %add3A_447, %add3A_448 : vector<512x256xf32>
    %slice3A_450 = vector.extract_strided_slice %add3A_449 {offsets = [0, 0], sizes = [512, 64], strides = [1, 1]} : vector<512x256xf32> to vector<512x64xf32>
    %logistic3A_451 = arith.negf %slice3A_450 : vector<512x64xf32>
    %logistic3A_452 = math.exp %logistic3A_451 : vector<512x64xf32>
    %logistic3A_453 = arith.constant 1.000000e+00 : f32
    %logistic3A_454 = vector.broadcast %logistic3A_453 : f32 to vector<512x64xf32>
    %logistic3A_455 = arith.addf %logistic3A_454, %logistic3A_452 : vector<512x64xf32>
    %logistic3A_456 = arith.divf %logistic3A_454, %logistic3A_455 : vector<512x64xf32>
    %slice3A_457 = vector.extract_strided_slice %add3A_449 {offsets = [0, 64], sizes = [512, 64], strides = [1, 1]} : vector<512x256xf32> to vector<512x64xf32>
    %logistic3A_458 = arith.negf %slice3A_457 : vector<512x64xf32>
    %logistic3A_459 = math.exp %logistic3A_458 : vector<512x64xf32>
    %logistic3A_460 = arith.constant 1.000000e+00 : f32
    %logistic3A_461 = vector.broadcast %logistic3A_460 : f32 to vector<512x64xf32>
    %logistic3A_462 = arith.addf %logistic3A_461, %logistic3A_459 : vector<512x64xf32>
    %logistic3A_463 = arith.divf %logistic3A_461, %logistic3A_462 : vector<512x64xf32>
    %slice3A_464 = vector.extract_strided_slice %add3A_449 {offsets = [0, 128], sizes = [512, 64], strides = [1, 1]} : vector<512x256xf32> to vector<512x64xf32>
    %tanh3A_465 = math.tanh %slice3A_464 : vector<512x64xf32>
    %slice3A_466 = vector.extract_strided_slice %add3A_449 {offsets = [0, 192], sizes = [512, 64], strides = [1, 1]} : vector<512x256xf32> to vector<512x64xf32>
    %logistic3A_467 = arith.negf %slice3A_466 : vector<512x64xf32>
    %logistic3A_468 = math.exp %logistic3A_467 : vector<512x64xf32>
    %logistic3A_469 = arith.constant 1.000000e+00 : f32
    %logistic3A_470 = vector.broadcast %logistic3A_469 : f32 to vector<512x64xf32>
    %logistic3A_471 = arith.addf %logistic3A_470, %logistic3A_468 : vector<512x64xf32>
    %logistic3A_472 = arith.divf %logistic3A_470, %logistic3A_471 : vector<512x64xf32>
    %mul3A_473 = arith.mulf %logistic3A_463, %add3A_423 : vector<512x64xf32>
    %mul3A_474 = arith.mulf %logistic3A_456, %tanh3A_465 : vector<512x64xf32>
    %add3A_475 = arith.addf %mul3A_473, %mul3A_474 : vector<512x64xf32>
    %tanh3A_476 = math.tanh %add3A_475 : vector<512x64xf32>
    %mul3A_477 = arith.mulf %logistic3A_472, %tanh3A_476 : vector<512x64xf32>
    %dot_general3A_478 = arith.constant dense<0.000000e+00> : vector<512x1xf32>
    %dot_general3A_479 = tpu.matmul %convert_element_type3A_25, %convert_element_type3A_439, %dot_general3A_478 {dimension_numbers = #tpu.dot_dimension_numbers<[1], [0], [0], [1], [0, 0, 1, 1], [], []>, transpose_lhs_hint = false} : vector<512x50xf32>, vector<50x1xf32>, vector<512x1xf32> -> vector<512x1xf32>
    %sub3A_480 = arith.constant 1.000000e+00 : f32
    %sub3A_481 = vector.broadcast %sub3A_480 : f32 to vector<512x1xf32>
    %sub3A_482 = arith.subf %sub3A_481, %dot_general3A_479 : vector<512x1xf32>
    %mul3A_483 = vector.broadcast %dot_general3A_479 : vector<512x1xf32> to vector<512x64xf32>
    %mul3A_484 = arith.mulf %mul3A_483, %mul3A_477 : vector<512x64xf32>
    %mul3A_485 = vector.broadcast %sub3A_482 : vector<512x1xf32> to vector<512x64xf32>
    %mul3A_486 = arith.mulf %mul3A_485, %add3A_418 : vector<512x64xf32>
    %add3A_487 = arith.addf %mul3A_484, %mul3A_486 : vector<512x64xf32>
    %mul3A_488 = vector.broadcast %dot_general3A_479 : vector<512x1xf32> to vector<512x64xf32>
    %mul3A_489 = arith.mulf %mul3A_488, %add3A_475 : vector<512x64xf32>
    %mul3A_490 = vector.broadcast %sub3A_482 : vector<512x1xf32> to vector<512x64xf32>
    %mul3A_491 = arith.mulf %mul3A_490, %add3A_423 : vector<512x64xf32>
    %add3A_492 = arith.addf %mul3A_489, %mul3A_491 : vector<512x64xf32>
    %mul3A_493 = vector.broadcast %dot_general3A_479 : vector<512x1xf32> to vector<512x64xf32>
    %mul3A_494 = arith.mulf %mul3A_493, %mul3A_477 : vector<512x64xf32>
    %mul3A_495 = vector.broadcast %sub3A_482 : vector<512x1xf32> to vector<512x64xf32>
    %mul3A_496 = arith.mulf %mul3A_495, %add3A_428 : vector<512x64xf32>
    %add3A_497 = arith.addf %mul3A_494, %mul3A_496 : vector<512x64xf32>
    %swap3A_498 = arith.constant 0 : index
    %swap3A_499 = arith.constant 384 : index
    %swap3A_500 = vector.load %arg9[%swap3A_498, %swap3A_499] : memref<512x640xf32, #tpu.memory_space<vmem>>, vector<512x64xf32>
    tpu.vector_store %arg9[%swap3A_498, %swap3A_499], %add3A_497 {strides = array<i32>} : memref<512x640xf32, #tpu.memory_space<vmem>>, vector<512x64xf32>,
    %mul3A_501 = arith.constant 10 : i32
    %mul3A_502 = arith.muli %arg1, %mul3A_501 : i32
    %add3A_503 = arith.constant 7 : i32
    %add3A_504 = arith.addi %mul3A_502, %add3A_503 : i32
    %eq3A_505 = vector.broadcast %add3A_504 : i32 to vector<50x1xi32>
    %eq3A_506 = arith.cmpi eq, %iota3A, %eq3A_505 : vector<50x1xi32>
    %convert_element_type3A_507 = arith.extui %eq3A_506 : vector<50x1xi1> to vector<50x1xi32>
    %convert_element_type3A_508 = arith.sitofp %convert_element_type3A_507 : vector<50x1xi32> to vector<50x1xf32>
    %get3A_509 = arith.constant 0 : index
    %get3A_510 = arith.constant 448 : index
    %get3A_511 = vector.load %arg3[%get3A_509, %get3A_510] : memref<512x640xf32, #tpu.memory_space<vmem>>, vector<512x64xf32>
    %dot_general3A_512 = arith.constant dense<0.000000e+00> : vector<512x256xf32>
    %dot_general3A_513 = tpu.matmul %get3A_511, %get3A_12, %dot_general3A_512 {dimension_numbers = #tpu.dot_dimension_numbers<[1], [0], [0], [1], [0, 0, 1, 1], [], []>, transpose_lhs_hint = false} : vector<512x64xf32>, vector<64x256xf32>, vector<512x256xf32> -> vector<512x256xf32>
    %dot_general3A_514 = arith.constant dense<0.000000e+00> : vector<512x256xf32>
    %dot_general3A_515 = tpu.matmul %add3A_487, %get3A_15, %dot_general3A_514 {dimension_numbers = #tpu.dot_dimension_numbers<[1], [0], [0], [1], [0, 0, 1, 1], [], []>, transpose_lhs_hint = false} : vector<512x64xf32>, vector<64x256xf32>, vector<512x256xf32> -> vector<512x256xf32>
    %add3A_516 = arith.addf %dot_general3A_513, %dot_general3A_515 : vector<512x256xf32>
    %add3A_517 = vector.broadcast %get3A_18 : vector<1x256xf32> to vector<512x256xf32>
    %add3A_518 = arith.addf %add3A_516, %add3A_517 : vector<512x256xf32>
    %slice3A_519 = vector.extract_strided_slice %add3A_518 {offsets = [0, 0], sizes = [512, 64], strides = [1, 1]} : vector<512x256xf32> to vector<512x64xf32>
    %logistic3A_520 = arith.negf %slice3A_519 : vector<512x64xf32>
    %logistic3A_521 = math.exp %logistic3A_520 : vector<512x64xf32>
    %logistic3A_522 = arith.constant 1.000000e+00 : f32
    %logistic3A_523 = vector.broadcast %logistic3A_522 : f32 to vector<512x64xf32>
    %logistic3A_524 = arith.addf %logistic3A_523, %logistic3A_521 : vector<512x64xf32>
    %logistic3A_525 = arith.divf %logistic3A_523, %logistic3A_524 : vector<512x64xf32>
    %slice3A_526 = vector.extract_strided_slice %add3A_518 {offsets = [0, 64], sizes = [512, 64], strides = [1, 1]} : vector<512x256xf32> to vector<512x64xf32>
    %logistic3A_527 = arith.negf %slice3A_526 : vector<512x64xf32>
    %logistic3A_528 = math.exp %logistic3A_527 : vector<512x64xf32>
    %logistic3A_529 = arith.constant 1.000000e+00 : f32
    %logistic3A_530 = vector.broadcast %logistic3A_529 : f32 to vector<512x64xf32>
    %logistic3A_531 = arith.addf %logistic3A_530, %logistic3A_528 : vector<512x64xf32>
    %logistic3A_532 = arith.divf %logistic3A_530, %logistic3A_531 : vector<512x64xf32>
    %slice3A_533 = vector.extract_strided_slice %add3A_518 {offsets = [0, 128], sizes = [512, 64], strides = [1, 1]} : vector<512x256xf32> to vector<512x64xf32>
    %tanh3A_534 = math.tanh %slice3A_533 : vector<512x64xf32>
    %slice3A_535 = vector.extract_strided_slice %add3A_518 {offsets = [0, 192], sizes = [512, 64], strides = [1, 1]} : vector<512x256xf32> to vector<512x64xf32>
    %logistic3A_536 = arith.negf %slice3A_535 : vector<512x64xf32>
    %logistic3A_537 = math.exp %logistic3A_536 : vector<512x64xf32>
    %logistic3A_538 = arith.constant 1.000000e+00 : f32
    %logistic3A_539 = vector.broadcast %logistic3A_538 : f32 to vector<512x64xf32>
    %logistic3A_540 = arith.addf %logistic3A_539, %logistic3A_537 : vector<512x64xf32>
    %logistic3A_541 = arith.divf %logistic3A_539, %logistic3A_540 : vector<512x64xf32>
    %mul3A_542 = arith.mulf %logistic3A_532, %add3A_492 : vector<512x64xf32>
    %mul3A_543 = arith.mulf %logistic3A_525, %tanh3A_534 : vector<512x64xf32>
    %add3A_544 = arith.addf %mul3A_542, %mul3A_543 : vector<512x64xf32>
    %tanh3A_545 = math.tanh %add3A_544 : vector<512x64xf32>
    %mul3A_546 = arith.mulf %logistic3A_541, %tanh3A_545 : vector<512x64xf32>
    %dot_general3A_547 = arith.constant dense<0.000000e+00> : vector<512x1xf32>
    %dot_general3A_548 = tpu.matmul %convert_element_type3A_25, %convert_element_type3A_508, %dot_general3A_547 {dimension_numbers = #tpu.dot_dimension_numbers<[1], [0], [0], [1], [0, 0, 1, 1], [], []>, transpose_lhs_hint = false} : vector<512x50xf32>, vector<50x1xf32>, vector<512x1xf32> -> vector<512x1xf32>
    %sub3A_549 = arith.constant 1.000000e+00 : f32
    %sub3A_550 = vector.broadcast %sub3A_549 : f32 to vector<512x1xf32>
    %sub3A_551 = arith.subf %sub3A_550, %dot_general3A_548 : vector<512x1xf32>
    %mul3A_552 = vector.broadcast %dot_general3A_548 : vector<512x1xf32> to vector<512x64xf32>
    %mul3A_553 = arith.mulf %mul3A_552, %mul3A_546 : vector<512x64xf32>
    %mul3A_554 = vector.broadcast %sub3A_551 : vector<512x1xf32> to vector<512x64xf32>
    %mul3A_555 = arith.mulf %mul3A_554, %add3A_487 : vector<512x64xf32>
    %add3A_556 = arith.addf %mul3A_553, %mul3A_555 : vector<512x64xf32>
    %mul3A_557 = vector.broadcast %dot_general3A_548 : vector<512x1xf32> to vector<512x64xf32>
    %mul3A_558 = arith.mulf %mul3A_557, %add3A_544 : vector<512x64xf32>
    %mul3A_559 = vector.broadcast %sub3A_551 : vector<512x1xf32> to vector<512x64xf32>
    %mul3A_560 = arith.mulf %mul3A_559, %add3A_492 : vector<512x64xf32>
    %add3A_561 = arith.addf %mul3A_558, %mul3A_560 : vector<512x64xf32>
    %mul3A_562 = vector.broadcast %dot_general3A_548 : vector<512x1xf32> to vector<512x64xf32>
    %mul3A_563 = arith.mulf %mul3A_562, %mul3A_546 : vector<512x64xf32>
    %mul3A_564 = vector.broadcast %sub3A_551 : vector<512x1xf32> to vector<512x64xf32>
    %mul3A_565 = arith.mulf %mul3A_564, %add3A_497 : vector<512x64xf32>
    %add3A_566 = arith.addf %mul3A_563, %mul3A_565 : vector<512x64xf32>
    %swap3A_567 = arith.constant 0 : index
    %swap3A_568 = arith.constant 448 : index
    %swap3A_569 = vector.load %arg9[%swap3A_567, %swap3A_568] : memref<512x640xf32, #tpu.memory_space<vmem>>, vector<512x64xf32>
    tpu.vector_store %arg9[%swap3A_567, %swap3A_568], %add3A_566 {strides = array<i32>} : memref<512x640xf32, #tpu.memory_space<vmem>>, vector<512x64xf32>,
    %mul3A_570 = arith.constant 10 : i32
    %mul3A_571 = arith.muli %arg1, %mul3A_570 : i32
    %add3A_572 = arith.constant 8 : i32
    %add3A_573 = arith.addi %mul3A_571, %add3A_572 : i32
    %eq3A_574 = vector.broadcast %add3A_573 : i32 to vector<50x1xi32>
    %eq3A_575 = arith.cmpi eq, %iota3A, %eq3A_574 : vector<50x1xi32>
    %convert_element_type3A_576 = arith.extui %eq3A_575 : vector<50x1xi1> to vector<50x1xi32>
    %convert_element_type3A_577 = arith.sitofp %convert_element_type3A_576 : vector<50x1xi32> to vector<50x1xf32>
    %get3A_578 = arith.constant 0 : index
    %get3A_579 = arith.constant 512 : index
    %get3A_580 = vector.load %arg3[%get3A_578, %get3A_579] : memref<512x640xf32, #tpu.memory_space<vmem>>, vector<512x64xf32>
    %dot_general3A_581 = arith.constant dense<0.000000e+00> : vector<512x256xf32>
    %dot_general3A_582 = tpu.matmul %get3A_580, %get3A_12, %dot_general3A_581 {dimension_numbers = #tpu.dot_dimension_numbers<[1], [0], [0], [1], [0, 0, 1, 1], [], []>, transpose_lhs_hint = false} : vector<512x64xf32>, vector<64x256xf32>, vector<512x256xf32> -> vector<512x256xf32>
    %dot_general3A_583 = arith.constant dense<0.000000e+00> : vector<512x256xf32>
    %dot_general3A_584 = tpu.matmul %add3A_556, %get3A_15, %dot_general3A_583 {dimension_numbers = #tpu.dot_dimension_numbers<[1], [0], [0], [1], [0, 0, 1, 1], [], []>, transpose_lhs_hint = false} : vector<512x64xf32>, vector<64x256xf32>, vector<512x256xf32> -> vector<512x256xf32>
    %add3A_585 = arith.addf %dot_general3A_582, %dot_general3A_584 : vector<512x256xf32>
    %add3A_586 = vector.broadcast %get3A_18 : vector<1x256xf32> to vector<512x256xf32>
    %add3A_587 = arith.addf %add3A_585, %add3A_586 : vector<512x256xf32>
    %slice3A_588 = vector.extract_strided_slice %add3A_587 {offsets = [0, 0], sizes = [512, 64], strides = [1, 1]} : vector<512x256xf32> to vector<512x64xf32>
    %logistic3A_589 = arith.negf %slice3A_588 : vector<512x64xf32>
    %logistic3A_590 = math.exp %logistic3A_589 : vector<512x64xf32>
    %logistic3A_591 = arith.constant 1.000000e+00 : f32
    %logistic3A_592 = vector.broadcast %logistic3A_591 : f32 to vector<512x64xf32>
    %logistic3A_593 = arith.addf %logistic3A_592, %logistic3A_590 : vector<512x64xf32>
    %logistic3A_594 = arith.divf %logistic3A_592, %logistic3A_593 : vector<512x64xf32>
    %slice3A_595 = vector.extract_strided_slice %add3A_587 {offsets = [0, 64], sizes = [512, 64], strides = [1, 1]} : vector<512x256xf32> to vector<512x64xf32>
    %logistic3A_596 = arith.negf %slice3A_595 : vector<512x64xf32>
    %logistic3A_597 = math.exp %logistic3A_596 : vector<512x64xf32>
    %logistic3A_598 = arith.constant 1.000000e+00 : f32
    %logistic3A_599 = vector.broadcast %logistic3A_598 : f32 to vector<512x64xf32>
    %logistic3A_600 = arith.addf %logistic3A_599, %logistic3A_597 : vector<512x64xf32>
    %logistic3A_601 = arith.divf %logistic3A_599, %logistic3A_600 : vector<512x64xf32>
    %slice3A_602 = vector.extract_strided_slice %add3A_587 {offsets = [0, 128], sizes = [512, 64], strides = [1, 1]} : vector<512x256xf32> to vector<512x64xf32>
    %tanh3A_603 = math.tanh %slice3A_602 : vector<512x64xf32>
    %slice3A_604 = vector.extract_strided_slice %add3A_587 {offsets = [0, 192], sizes = [512, 64], strides = [1, 1]} : vector<512x256xf32> to vector<512x64xf32>
    %logistic3A_605 = arith.negf %slice3A_604 : vector<512x64xf32>
    %logistic3A_606 = math.exp %logistic3A_605 : vector<512x64xf32>
    %logistic3A_607 = arith.constant 1.000000e+00 : f32
    %logistic3A_608 = vector.broadcast %logistic3A_607 : f32 to vector<512x64xf32>
    %logistic3A_609 = arith.addf %logistic3A_608, %logistic3A_606 : vector<512x64xf32>
    %logistic3A_610 = arith.divf %logistic3A_608, %logistic3A_609 : vector<512x64xf32>
    %mul3A_611 = arith.mulf %logistic3A_601, %add3A_561 : vector<512x64xf32>
    %mul3A_612 = arith.mulf %logistic3A_594, %tanh3A_603 : vector<512x64xf32>
    %add3A_613 = arith.addf %mul3A_611, %mul3A_612 : vector<512x64xf32>
    %tanh3A_614 = math.tanh %add3A_613 : vector<512x64xf32>
    %mul3A_615 = arith.mulf %logistic3A_610, %tanh3A_614 : vector<512x64xf32>
    %dot_general3A_616 = arith.constant dense<0.000000e+00> : vector<512x1xf32>
    %dot_general3A_617 = tpu.matmul %convert_element_type3A_25, %convert_element_type3A_577, %dot_general3A_616 {dimension_numbers = #tpu.dot_dimension_numbers<[1], [0], [0], [1], [0, 0, 1, 1], [], []>, transpose_lhs_hint = false} : vector<512x50xf32>, vector<50x1xf32>, vector<512x1xf32> -> vector<512x1xf32>
    %sub3A_618 = arith.constant 1.000000e+00 : f32
    %sub3A_619 = vector.broadcast %sub3A_618 : f32 to vector<512x1xf32>
    %sub3A_620 = arith.subf %sub3A_619, %dot_general3A_617 : vector<512x1xf32>
    %mul3A_621 = vector.broadcast %dot_general3A_617 : vector<512x1xf32> to vector<512x64xf32>
    %mul3A_622 = arith.mulf %mul3A_621, %mul3A_615 : vector<512x64xf32>
    %mul3A_623 = vector.broadcast %sub3A_620 : vector<512x1xf32> to vector<512x64xf32>
    %mul3A_624 = arith.mulf %mul3A_623, %add3A_556 : vector<512x64xf32>
    %add3A_625 = arith.addf %mul3A_622, %mul3A_624 : vector<512x64xf32>
    %mul3A_626 = vector.broadcast %dot_general3A_617 : vector<512x1xf32> to vector<512x64xf32>
    %mul3A_627 = arith.mulf %mul3A_626, %add3A_613 : vector<512x64xf32>
    %mul3A_628 = vector.broadcast %sub3A_620 : vector<512x1xf32> to vector<512x64xf32>
    %mul3A_629 = arith.mulf %mul3A_628, %add3A_561 : vector<512x64xf32>
    %add3A_630 = arith.addf %mul3A_627, %mul3A_629 : vector<512x64xf32>
    %mul3A_631 = vector.broadcast %dot_general3A_617 : vector<512x1xf32> to vector<512x64xf32>
    %mul3A_632 = arith.mulf %mul3A_631, %mul3A_615 : vector<512x64xf32>
    %mul3A_633 = vector.broadcast %sub3A_620 : vector<512x1xf32> to vector<512x64xf32>
    %mul3A_634 = arith.mulf %mul3A_633, %add3A_566 : vector<512x64xf32>
    %add3A_635 = arith.addf %mul3A_632, %mul3A_634 : vector<512x64xf32>
    %swap3A_636 = arith.constant 0 : index
    %swap3A_637 = arith.constant 512 : index
    %swap3A_638 = vector.load %arg9[%swap3A_636, %swap3A_637] : memref<512x640xf32, #tpu.memory_space<vmem>>, vector<512x64xf32>
    tpu.vector_store %arg9[%swap3A_636, %swap3A_637], %add3A_635 {strides = array<i32>} : memref<512x640xf32, #tpu.memory_space<vmem>>, vector<512x64xf32>,
    %mul3A_639 = arith.constant 10 : i32
    %mul3A_640 = arith.muli %arg1, %mul3A_639 : i32
    %add3A_641 = arith.constant 9 : i32
    %add3A_642 = arith.addi %mul3A_640, %add3A_641 : i32
    %eq3A_643 = vector.broadcast %add3A_642 : i32 to vector<50x1xi32>
    %eq3A_644 = arith.cmpi eq, %iota3A, %eq3A_643 : vector<50x1xi32>
    %convert_element_type3A_645 = arith.extui %eq3A_644 : vector<50x1xi1> to vector<50x1xi32>
    %convert_element_type3A_646 = arith.sitofp %convert_element_type3A_645 : vector<50x1xi32> to vector<50x1xf32>
    %get3A_647 = arith.constant 0 : index
    %get3A_648 = arith.constant 576 : index
    %get3A_649 = vector.load %arg3[%get3A_647, %get3A_648] : memref<512x640xf32, #tpu.memory_space<vmem>>, vector<512x64xf32>
    %dot_general3A_650 = arith.constant dense<0.000000e+00> : vector<512x256xf32>
    %dot_general3A_651 = tpu.matmul %get3A_649, %get3A_12, %dot_general3A_650 {dimension_numbers = #tpu.dot_dimension_numbers<[1], [0], [0], [1], [0, 0, 1, 1], [], []>, transpose_lhs_hint = false} : vector<512x64xf32>, vector<64x256xf32>, vector<512x256xf32> -> vector<512x256xf32>
    %dot_general3A_652 = arith.constant dense<0.000000e+00> : vector<512x256xf32>
    %dot_general3A_653 = tpu.matmul %add3A_625, %get3A_15, %dot_general3A_652 {dimension_numbers = #tpu.dot_dimension_numbers<[1], [0], [0], [1], [0, 0, 1, 1], [], []>, transpose_lhs_hint = false} : vector<512x64xf32>, vector<64x256xf32>, vector<512x256xf32> -> vector<512x256xf32>
    %add3A_654 = arith.addf %dot_general3A_651, %dot_general3A_653 : vector<512x256xf32>
    %add3A_655 = vector.broadcast %get3A_18 : vector<1x256xf32> to vector<512x256xf32>
    %add3A_656 = arith.addf %add3A_654, %add3A_655 : vector<512x256xf32>
    %slice3A_657 = vector.extract_strided_slice %add3A_656 {offsets = [0, 0], sizes = [512, 64], strides = [1, 1]} : vector<512x256xf32> to vector<512x64xf32>
    %logistic3A_658 = arith.negf %slice3A_657 : vector<512x64xf32>
    %logistic3A_659 = math.exp %logistic3A_658 : vector<512x64xf32>
    %logistic3A_660 = arith.constant 1.000000e+00 : f32
    %logistic3A_661 = vector.broadcast %logistic3A_660 : f32 to vector<512x64xf32>
    %logistic3A_662 = arith.addf %logistic3A_661, %logistic3A_659 : vector<512x64xf32>
    %logistic3A_663 = arith.divf %logistic3A_661, %logistic3A_662 : vector<512x64xf32>
    %slice3A_664 = vector.extract_strided_slice %add3A_656 {offsets = [0, 64], sizes = [512, 64], strides = [1, 1]} : vector<512x256xf32> to vector<512x64xf32>
    %logistic3A_665 = arith.negf %slice3A_664 : vector<512x64xf32>
    %logistic3A_666 = math.exp %logistic3A_665 : vector<512x64xf32>
    %logistic3A_667 = arith.constant 1.000000e+00 : f32
    %logistic3A_668 = vector.broadcast %logistic3A_667 : f32 to vector<512x64xf32>
    %logistic3A_669 = arith.addf %logistic3A_668, %logistic3A_666 : vector<512x64xf32>
    %logistic3A_670 = arith.divf %logistic3A_668, %logistic3A_669 : vector<512x64xf32>
    %slice3A_671 = vector.extract_strided_slice %add3A_656 {offsets = [0, 128], sizes = [512, 64], strides = [1, 1]} : vector<512x256xf32> to vector<512x64xf32>
    %tanh3A_672 = math.tanh %slice3A_671 : vector<512x64xf32>
    %slice3A_673 = vector.extract_strided_slice %add3A_656 {offsets = [0, 192], sizes = [512, 64], strides = [1, 1]} : vector<512x256xf32> to vector<512x64xf32>
    %logistic3A_674 = arith.negf %slice3A_673 : vector<512x64xf32>
    %logistic3A_675 = math.exp %logistic3A_674 : vector<512x64xf32>
    %logistic3A_676 = arith.constant 1.000000e+00 : f32
    %logistic3A_677 = vector.broadcast %logistic3A_676 : f32 to vector<512x64xf32>
    %logistic3A_678 = arith.addf %logistic3A_677, %logistic3A_675 : vector<512x64xf32>
    %logistic3A_679 = arith.divf %logistic3A_677, %logistic3A_678 : vector<512x64xf32>
    %mul3A_680 = arith.mulf %logistic3A_670, %add3A_630 : vector<512x64xf32>
    %mul3A_681 = arith.mulf %logistic3A_663, %tanh3A_672 : vector<512x64xf32>
    %add3A_682 = arith.addf %mul3A_680, %mul3A_681 : vector<512x64xf32>
    %tanh3A_683 = math.tanh %add3A_682 : vector<512x64xf32>
    %mul3A_684 = arith.mulf %logistic3A_679, %tanh3A_683 : vector<512x64xf32>
    %dot_general3A_685 = arith.constant dense<0.000000e+00> : vector<512x1xf32>
    %dot_general3A_686 = tpu.matmul %convert_element_type3A_25, %convert_element_type3A_646, %dot_general3A_685 {dimension_numbers = #tpu.dot_dimension_numbers<[1], [0], [0], [1], [0, 0, 1, 1], [], []>, transpose_lhs_hint = false} : vector<512x50xf32>, vector<50x1xf32>, vector<512x1xf32> -> vector<512x1xf32>
    %sub3A_687 = arith.constant 1.000000e+00 : f32
    %sub3A_688 = vector.broadcast %sub3A_687 : f32 to vector<512x1xf32>
    %sub3A_689 = arith.subf %sub3A_688, %dot_general3A_686 : vector<512x1xf32>
    %mul3A_690 = vector.broadcast %dot_general3A_686 : vector<512x1xf32> to vector<512x64xf32>
    %mul3A_691 = arith.mulf %mul3A_690, %mul3A_684 : vector<512x64xf32>
    %mul3A_692 = vector.broadcast %sub3A_689 : vector<512x1xf32> to vector<512x64xf32>
    %mul3A_693 = arith.mulf %mul3A_692, %add3A_625 : vector<512x64xf32>
    %add3A_694 = arith.addf %mul3A_691, %mul3A_693 : vector<512x64xf32>
    %mul3A_695 = vector.broadcast %dot_general3A_686 : vector<512x1xf32> to vector<512x64xf32>
    %mul3A_696 = arith.mulf %mul3A_695, %add3A_682 : vector<512x64xf32>
    %mul3A_697 = vector.broadcast %sub3A_689 : vector<512x1xf32> to vector<512x64xf32>
    %mul3A_698 = arith.mulf %mul3A_697, %add3A_630 : vector<512x64xf32>
    %add3A_699 = arith.addf %mul3A_696, %mul3A_698 : vector<512x64xf32>
    %mul3A_700 = vector.broadcast %dot_general3A_686 : vector<512x1xf32> to vector<512x64xf32>
    %mul3A_701 = arith.mulf %mul3A_700, %mul3A_684 : vector<512x64xf32>
    %mul3A_702 = vector.broadcast %sub3A_689 : vector<512x1xf32> to vector<512x64xf32>
    %mul3A_703 = arith.mulf %mul3A_702, %add3A_635 : vector<512x64xf32>
    %add3A_704 = arith.addf %mul3A_701, %mul3A_703 : vector<512x64xf32>
    %swap3A_705 = arith.constant 0 : index
    %swap3A_706 = arith.constant 576 : index
    %swap3A_707 = vector.load %arg9[%swap3A_705, %swap3A_706] : memref<512x640xf32, #tpu.memory_space<vmem>>, vector<512x64xf32>
    tpu.vector_store %arg9[%swap3A_705, %swap3A_706], %add3A_704 {strides = array<i32>} : memref<512x640xf32, #tpu.memory_space<vmem>>, vector<512x64xf32>,
    %swap3A_708 = arith.constant 0 : index
    %swap3A_709 = arith.constant 0 : index
    %swap3A_710 = vector.load %arg12[%swap3A_708, %swap3A_709] : memref<512x64xf32, #tpu.memory_space<vmem>>, vector<512x64xf32>
    tpu.vector_store %arg12[%swap3A_708, %swap3A_709], %add3A_694 {strides = array<i32>} : memref<512x64xf32, #tpu.memory_space<vmem>>, vector<512x64xf32>,
    %swap3A_711 = arith.constant 0 : index
    %swap3A_712 = arith.constant 0 : index
    %swap3A_713 = vector.load %arg13[%swap3A_711, %swap3A_712] : memref<512x64xf32, #tpu.memory_space<vmem>>, vector<512x64xf32>
    tpu.vector_store %arg13[%swap3A_711, %swap3A_712], %add3A_699 {strides = array<i32>} : memref<512x64xf32, #tpu.memory_space<vmem>>, vector<512x64xf32>,
    %swap3A_714 = arith.constant 0 : index
    %swap3A_715 = arith.constant 0 : index
    %swap3A_716 = vector.load %arg14[%swap3A_714, %swap3A_715] : memref<512x64xf32, #tpu.memory_space<vmem>>, vector<512x64xf32>
    tpu.vector_store %arg14[%swap3A_714, %swap3A_715], %add3A_704 {strides = array<i32>} : memref<512x64xf32, #tpu.memory_space<vmem>>, vector<512x64xf32>,
    %swap3A_717 = arith.constant 0 : index
    %swap3A_718 = arith.constant 0 : index
    %swap3A_719 = vector.load %arg10[%swap3A_717, %swap3A_718] : memref<512x64xf32, #tpu.memory_space<vmem>>, vector<512x64xf32>
    tpu.vector_store %arg10[%swap3A_717, %swap3A_718], %add3A_694 {strides = array<i32>} : memref<512x64xf32, #tpu.memory_space<vmem>>, vector<512x64xf32>,
    %swap3A_720 = arith.constant 0 : index
    %swap3A_721 = arith.constant 0 : index
    %swap3A_722 = vector.load %arg11[%swap3A_720, %swap3A_721] : memref<512x64xf32, #tpu.memory_space<vmem>>, vector<512x64xf32>
    tpu.vector_store %arg11[%swap3A_720, %swap3A_721], %add3A_699 {strides = array<i32>} : memref<512x64xf32, #tpu.memory_space<vmem>>, vector<512x64xf32>,
    return
  }
  func.func @transform_0(%arg0: i32, %arg1: i32) -> (i32, i32) {
    %c0_i32 = arith.constant 0 : i32
    %c0_i32_0 = arith.constant 0 : i32
    return %arg0, %c0_i32 : i32, i32
  }
  func.func @transform_1(%arg0: i32, %arg1: i32) -> (i32, i32) {
    %c0_i32 = arith.constant 0 : i32
    return %arg0, %arg1 : i32, i32
  }
  func.func @transform_2(%arg0: i32, %arg1: i32) -> (i32, i32) {
    %c0_i32 = arith.constant 0 : i32
    %c0_i32_0 = arith.constant 0 : i32
    return %arg0, %c0_i32 : i32, i32
  }
  func.func @transform_3(%arg0: i32, %arg1: i32) -> (i32, i32) {
    %c0_i32 = arith.constant 0 : i32
    %c0_i32_0 = arith.constant 0 : i32
    return %arg0, %c0_i32 : i32, i32
  }
  func.func @transform_4(%arg0: i32, %arg1: i32) -> (i32, i32) {
    %c0_i32 = arith.constant 0 : i32
    %c0_i32_0 = arith.constant 0 : i32
    %c0_i32_1 = arith.constant 0 : i32
    return %c0_i32, %c0_i32_0 : i32, i32
  }
  func.func @transform_5(%arg0: i32, %arg1: i32) -> (i32, i32) {
    %c0_i32 = arith.constant 0 : i32
    %c0_i32_0 = arith.constant 0 : i32
    %c0_i32_1 = arith.constant 0 : i32
    return %c0_i32, %c0_i32_0 : i32, i32
  }
  func.func @transform_6(%arg0: i32, %arg1: i32) -> (i32, i32) {
    %c0_i32 = arith.constant 0 : i32
    %c0_i32_0 = arith.constant 0 : i32
    %c0_i32_1 = arith.constant 0 : i32
    return %c0_i32, %c0_i32_0 : i32, i32
  }
  func.func @transform_7(%arg0: i32, %arg1: i32) -> (i32, i32) {
    %c0_i32 = arith.constant 0 : i32
    return %arg0, %arg1 : i32, i32
  }
  func.func @transform_8(%arg0: i32, %arg1: i32) -> (i32, i32) {
    %c0_i32 = arith.constant 0 : i32
    %c0_i32_0 = arith.constant 0 : i32
    return %arg0, %c0_i32 : i32, i32
  }
  func.func @transform_9(%arg0: i32, %arg1: i32) -> (i32, i32) {
    %c0_i32 = arith.constant 0 : i32
    %c0_i32_0 = arith.constant 0 : i32
    return %arg0, %c0_i32 : i32, i32
  }
}

</mosaic_0001>

<sc_bundles>
// kernel: kernel.4.cloned.1.call-start
scs
__scs_entry_jumppad:
0x0: {  	(pc) =	sbr.rel $0x88, $3  }
0x1: {  	(tag) =	ssettag $0x0;
	lr =	simm.s32 $0x1  }
0x2: {  	[smem:$0x3F9A] =	sst lr;
	_ =	strace $0xD0000000  }
0x3: {  	_ = 	snop  }
0x4: {  	_ = 	snop  }
0x5: {  	_ = 	snop  }
0x6: {  	_ = 	snop  }
0x7: {  	_ = 	snop  }
__scs_overlays_trampoline_lowered:
0x8: {  	[smem:$0x3FA9] =	sst s0  }
0x9: {  	[smem:$0x3FAA] =	sst s1  }
0xa: {  	[smem:$0x3FAB] =	sst s2  }
0xb: {  	[smem:$0x3FAC] =	sst s3  }
0xc: {  	[smem:$0x3FAD] =	sst s4  }
0xd: {  	[smem:$0x3FAE] =	sst s5  }
0xe: {  	[smem:$0x3FAF] =	sst s6  }
0xf: {  	[smem:$0x3FB0] =	sst s7  }
0x10: {  	[smem:$0x3FB1] =	sst s8  }
0x11: {  	[smem:$0x3FB2] =	sst s9;
	s0 =	simm.s32 @!p0 $0x0  }
0x12: {  	s1 =	sld [smem:$0x3F98];
	s0 =	simm.s32 @p0 $0x1  }
0x13: {  	[smem:$0x3FB3] =	sst s0;
	s0 =	simm.s32 @!p1 $0x0  }
0x14: {  	s2 =	sld [smem:$0x3F97];
	s0 =	simm.s32 @p1 $0x1  }
0x15: {  	[smem:$0x3FB4] =	sst s0;
	s0 =	simm.s32 @!p2 $0x0  }
0x16: {  	s3 =	sld [smem:$0x3FDB];
	s0 =	simm.s32 @p2 $0x1  }
0x17: {  	s4 =	simm.s32 $0x1BF5;
	[smem:$0x3FB6] =	sst s0  }
0x18: {  	s0 =	sld [smem:$0x3F99];
	_ =	swait.ge [sflag:s4], $0x0  }
0x19: {  	s7 =	sld [smem:$0x3F9A]  }
0x1a: {  	s8 =	sadd.s32 $0xFFFFE003, lr  }
0x1b: {  	s9 =	sadd.s32 $0xFFFFFEF7, lr;
	s5 =	simm.s32 $0xFFFFFFFF;
	p2 =	slt.u32 s8, $0xFFFFF086  }
0x1c: {  	p1 =	slt.u32 s9, $0xF7A;
	s5 =	simm.s32 @!p2 $0x0  }
0x1d: {  	s5 =	simm.s32 @p1 $0x1;
	p0 =	seq.s32 s7, s2  }
0x1e: {  	s7 =	smul.u32 @!p0 $0xF7A, s2;
	p2 =	seq.s32 @!p0 s5, $0x0  }
0x1f: {  	s9 =	smul.u32 $0xF7A, s1;
	s8 =	simm.s32 @!p0 $0x1BF5;
	p2 =	por !p2, p0  }
0x20: {  	[sflag:s8] =	ssyncset.s32 @!p0 $0xFFFFF086;
	s6 =	sadd.s32 @!p0 s3, s7;
	s7 =	simm.s32 @!p0 $0x108  }
0x21: {  	s3 =	sadd.s32 s3, s9;
	s6 =	sadd.s32 @!p0 $0x88, s6;
	s7 =	simm.s32 @p2 $0x1082  }
0x22: {  	[simem:s7], [sflag:s8] =	dma.local @!p0 [hbm:s6], $0xF7A  }
0x23: {  	s9 =	sor.u32 $0xD0000000, s2;
	s6 =	simm.s32 $0x108;
	_ =	swait.ge @!p0 [sflag:s8], $0x0  }
0x24: {  	s3 =	sadd.s32 $0x88, s3;
	s6 =	simm.s32 @!p1 $0x1082;
	[sflag:s4] =	ssyncset.s32 $0xFFFFF086  }
0x25: {  	[simem:s6], [sflag:s4] =	dma.local [hbm:s3], $0xF7A  }
0x26: {  	[smem:$0x3F9A] =	sst s1;
	(tag) =	ssettag s2;
	_ =	strace s9  }
0x27: {  	s1 =	sld [smem:$0x3FAA]  }
0x28: {  	s2 =	sld [smem:$0x3FAB]  }
0x29: {  	s4 =	sld [smem:$0x3FAD]  }
0x2a: {  	p0 =	seq.s32 s5, $0x0;
	s5 =	sld [smem:$0x3FAE]  }
0x2b: {  	s6 =	sld [smem:$0x3FAF]  }
0x2c: {  	s7 =	sld [smem:$0x3FB0]  }
0x2d: {  	s3 =	simm.s32 $0x108;
	s8 =	sld [smem:$0x3FB1]  }
0x2e: {  	s3 =	simm.s32 @!p0 $0x1082;
	s9 =	sld [smem:$0x3FB2]  }
0x2f: {  	lr =	sadd.s32 s0, s3;
	s0 =	sld [smem:$0x3FA9]  }
0x30: {  	s3 =	sld [smem:$0x3FAC]  }
0x31: {  	[smem:$0x3FB5] =	sst s10  }
0x32: {  	s10 =	sld [smem:$0x3FB3];
	_ =	sdelay $0x3  }
0x33: {  	p0 =	seq.s32 s10, $0x1;
	s10 =	sld [smem:$0x3FB5];
	_ =	sdelay $0x3  }
0x34: {  	[smem:$0x3FB5] =	sst s10  }
0x35: {  	s10 =	sld [smem:$0x3FB4];
	_ =	sdelay $0x3  }
0x36: {  	p1 =	seq.s32 s10, $0x1;
	s10 =	sld [smem:$0x3FB5];
	_ =	sdelay $0x3  }
0x37: {  	[smem:$0x3FB5] =	sst s10  }
0x38: {  	s10 =	sld [smem:$0x3FB6]  }
0x39: {  	_ = 	snop;
	(pc) =	sbr.ind lr, $3  }
0x3a: {  	_ = 	snop  }
0x3b: {  	_ = 	snop  }
0x3c: {  	p2 =	seq.s32 s10, $0x1;
	s10 =	sld [smem:$0x3FB5]  }
0x3d: {  	_ =	shalt  }
0x3e: {  	_ =	shalt  }
0x3f: {  	_ =	shalt  }
0x40: {  	_ =	shalt  }
0x41: {  	_ =	shalt  }
0x42: {  	_ =	shalt  }
0x43: {  	_ =	shalt  }
0x44: {  	_ =	shalt  }
0x45: {  	_ =	shalt  }
0x46: {  	_ =	shalt  }
0x47: {  	_ =	shalt  }
0x48: {  	_ =	shalt  }
0x49: {  	_ =	shalt  }
0x4a: {  	_ =	shalt  }
0x4b: {  	_ =	shalt  }
0x4c: {  	_ =	shalt  }
0x4d: {  	_ =	shalt  }
0x4e: {  	_ =	shalt  }
0x4f: {  	_ =	shalt  }
0x50: {  	_ =	shalt  }
0x51: {  	_ =	shalt  }
0x52: {  	_ =	shalt  }
0x53: {  	_ =	shalt  }
0x54: {  	_ =	shalt  }
0x55: {  	_ =	shalt  }
0x56: {  	_ =	shalt  }
0x57: {  	_ =	shalt  }
0x58: {  	_ =	shalt  }
0x59: {  	_ =	shalt  }
0x5a: {  	_ =	shalt  }
0x5b: {  	_ =	shalt  }
0x5c: {  	_ =	shalt  }
0x5d: {  	_ =	shalt  }
0x5e: {  	_ =	shalt  }
0x5f: {  	_ =	shalt  }
0x60: {  	_ =	shalt  }
0x61: {  	_ =	shalt  }
0x62: {  	_ =	shalt  }
0x63: {  	_ =	shalt  }
0x64: {  	_ =	shalt  }
0x65: {  	_ =	shalt  }
0x66: {  	_ =	shalt  }
0x67: {  	_ =	shalt  }
0x68: {  	_ =	shalt  }
0x69: {  	_ =	shalt  }
0x6a: {  	_ =	shalt  }
0x6b: {  	_ =	shalt  }
0x6c: {  	_ =	shalt  }
0x6d: {  	_ =	shalt  }
0x6e: {  	_ =	shalt  }
0x6f: {  	_ =	shalt  }
0x70: {  	_ =	shalt  }
0x71: {  	_ =	shalt  }
0x72: {  	_ =	shalt  }
0x73: {  	_ =	shalt  }
0x74: {  	_ =	shalt  }
0x75: {  	_ =	shalt  }
0x76: {  	_ =	shalt  }
0x77: {  	_ =	shalt  }
0x78: {  	_ =	shalt  }
0x79: {  	_ =	shalt  }
0x7a: {  	_ =	shalt  }
0x7b: {  	_ =	shalt  }
0x7c: {  	_ =	shalt  }
0x7d: {  	_ =	shalt  }
0x7e: {  	_ =	shalt  }
0x7f: {  	_ =	shalt  }
0x80: {  	_ =	shalt  }
0x81: {  	_ =	shalt  }
0x82: {  	_ =	shalt  }
0x83: {  	_ =	shalt  }
0x84: {  	_ =	shalt  }
0x85: {  	_ =	shalt  }
0x86: {  	_ =	shalt  }
0x87: {  	_ =	shalt  }
.Lfunc_end0:
.L_simem_size_0:
called_computation_lowered:
.L_overlay_start_0:
0x88: {  	s2 =	sld [smem:$0x3FD9]  }
0x89: {  	s3 =	sld [smem:$0x3FFE];
	_ =	sdelay $0x1  }
0x8a: {  	s1 =	srdreg.scid  }
0x8b: {  	s0 =	sand.u32 $0x1, s1  }
0x8c: {  	s14 =	sshll.u32 s0, $0xA;
	s2 =	sadd.s32 s3, s2  }
0x8d: {  	s2 =	sadd.s32 s2, s14  }
0x8e: {  	[smem:$0x3FC1] =	sst s2  }
0x8f: {  	_ = 	snop  }
0x90: {  	s2 =	sld [smem:$0x3FD0];
	_ =	sdelay $0x2  }
0x91: {  	s15 =	simm.s32 $0xA;
	s4 =	simm.s32 $0x10  }
0x92: {  	[smem:s4], [sflag:s15] =	dma.local [hbm:s2], $0x1  }
0x93: {  	_ =	swait.eq [sflag:s15], $0x1  }
0x94: {  	[sflag:s15] =	ssyncset.done $0x0  }
0x95: {  	[sflag:s15] =	ssyncadd.s32 $0xFFFFFFFF  }
0x96: {  	s16 =	sld [smem:$0x12];
	(tm) =	ssettm $0x1  }
0x97: {  	s17 =	sld [smem:$0x3FFB];
	_ =	sdelay $0x3  }
0x98: {  	_ =	strace s17  }
0x99: {  	s3 =	sld [smem:$0x3FFC];
	_ =	sdelay $0x3  }
0x9a: {  	_ =	strace s3  }
0x9b: {  	s3 =	sld [smem:$0x3FFD];
	_ =	sdelay $0x3  }
0x9c: {  	_ =	strace s3  }
0x9d: {  	_ =	strace $0x8FFFFFFF  }
0x9e: {  	s18 =	sld [smem:$0x3FDB];
	_ =	sdelay $0x1  }
0x9f: {  	s19 =	simm.s32 $_scs_section_size  }
0xa0: {  	s5 =	simm.s32 $_size__tile_overlayer_lowered;
	s6 =	simm.s32 $_tile_overlayer_lowered  }
0xa1: {  	s22 =	simm.s32 $0x1BFF;
	s21 =	sshll.u32 s6, $0x1;
	s3 =	sadd.s32 s19, s18  }
0xa2: {  	s7 =	simm.s32 $0x0;
	s20 =	sshll.u32 s5, $0x1;
	s5 =	sadd.s32 s21, s3  }
0xa3: {  	[timem:s7], [sflag:s22] =	dma.local [hbm:s5], s20  }
0xa4: {  	_ =	swait.ge [sflag:s22], s20  }
0xa5: {  	s4 =	ssub.s32 $0x0, s20;
	[sflag:s22] =	ssyncset.done $0x0  }
0xa6: {  	[sflag:s22] =	ssyncadd.s32 s4;
	_ =	sdelay $0x1  }
0xa7: {  	s23 =	simm.s32 $0x1B8B  }
0xa8: {  	_ =	swait.ge [sflag:s23], $0x1  }
0xa9: {  	[sflag:s23] =	ssyncset.done $0x0  }
0xaa: {  	s25 =	simm.s32 $0x1B8E;
	s24 =	sld [smem:$0x3FFE];
	[sflag:s23] =	ssyncadd.s32 $0xFFFFFFFF  }
0xab: {  	s26 =	simm.s32 $execute0_lowered;
	[smem:$0x3FD2] =	sst s25  }
0xac: {  	s5 =	sshll.u32 s26, $0x1;
	_ =	strace $0x80000046;
	[dreg:$0x1] =	wrdreg $0xFFFFFFFF  }
0xad: {  	s28 =	simm.s32 $_size_execute0_lowered;
	s3 =	sadd.s32 s3, s5;
	[dreg:$0x0] =	wrdreg $0x0  }
0xae: {  	s5 =	sshll.u32 s28, $0x1;
	[dreg:$0x2] =	wrdreg s3  }
0xaf: {  	[dreg:$0x3] =	wrdreg s5  }
0xb0: {  	[dreg:$0x4] =	wrdreg $0xC0  }
0xb1: {  	_ =	task [dreg:s7], $0x5FFFF  }
0xb2: {  	[dreg:$0x1] =	wrdreg $0xFFFFFFFF  }
0xb3: {  	[dreg:$0x0] =	wrdreg $0x60  }
0xb4: {  	[dreg:$0x2] =	wrdreg s24  }
0xb5: {  	[dreg:$0x3] =	wrdreg s16  }
0xb6: {  	[dreg:$0x4] =	wrdreg $0x9  }
0xb7: {  	_ =	task.clear_ibuf [dreg:s7], $0x5FFFF;
	_ =	strace $0x90000046  }
0xb8: {  	s29 =	simm.s32 $0x9;
	_ =	strace $0x80000048  }
0xb9: {  	_ =	swait.ge [sflag:s29], $0x1  }
0xba: {  	[sflag:s29] =	ssyncadd.s32 $0xFFFFFFFF  }
0xbb: {  	_ =	strace $0x90000048  }
0xbc: {  	_ =	sfence  }
0xbd: {  	s30 =	sld [smem:$0x0];
	_ =	sdelay $0x2  }
0xbe: {  	s31 =	sshll.u32 s1, $0xD;
	s1 =	sshrl.u32 s1, $0x2  }
0xbf: {  	s3 =	sand.u32 $0x4000, s31;
	s1 =	sadd.s32 s1, s30  }
0xc0: {  	s0 =	sor.u32 s3, s0;
	s1 =	sshll.u32 s1, $0x11  }
0xc1: {  	s0 =	sor.u32 s1, s0  }
0xc2: {  	s0 =	sadd.s32 $0x8F2B, s0  }
0xc3: {  	[sflag:s0] =	ssyncadd.remote.s32 $0x1  }
0xc4: {  	_ =	sfence.sel $0xFFFF  }
0xc5: {  	[dreg:$0x0] =	wrdreg $0xFFFFFFFF;
	(pc) =	sbr.abs _section_cstart, $3  }
0xc6: {  	[dreg:$0x1] =	wrdreg $0xFFFFFFFF  }
0xc7: {  	_ =	task.clear_ibuf [dreg:s7], $0x2FFFF;
	_ =	strace $0x9FFFFFFF  }
0xc8: {  	(tm) =	ssettm $0x7FFFFFFF  }
0xc9: {  	_ =	shalt  }
tec
execute0_lowered:
.L_overlay_start_1:
0x0: {  	(tag) =	ssettag $0x1  }
0x1: {  	s1 =	srdreg.scid;
	s0 =	stileid.u32  }
0x2: {  	s9 =	rddreg [dreg:$0x0];
	s24 =	sand.u32 $0x1, s1;
	s30 =	sshll.u32 s0, $0x1  }
0x3: {  	s3 =	rddreg [dreg:$0x1];
	s11 =	sor.u32 s24, s30  }
0x4: {  	s2 =	simm.s32 $0x0;
	s1 =	rddreg [dreg:$0x2];
	s4 =	smul.u32 $0x320, s11  }
0x5: {  	[smem:$0x7FF] =	sst s2  }
0x6: {  	_ =	strace $0x80000047;
	s4 =	sadd.s32 s3, s4;
	s3 =	simm.s32 $0x3  }
0x7: {  	[tilespmem:s2], [sflag:$0x3] =	stream.linear.gather [hbm4b:s4+s2], $0x1900, $0x38;
	[tilespmem:$0x1A900] =	vst v63  }
0x8: {  	_ =	swait.ge [sflag:s3], $0x1900  }
0x9: {  	s6 =	simm.s32 $0x320;
	s7 =	simm.s32 $0x1900;
	[sflag:s3] =	ssyncset.done $0x0  }
0xa: {  	s8 =	simm.s32 $0x1;
	s5 =	sadd.s32 $0xF53800, s9;
	[sflag:s3] =	ssyncadd.s32 $0xFFFFE700  }
0xb: {  	[tilespmem:s7], [sflag:$0x1] =	stream.indirect.gather [hbm4b:s5+s6], $0x40, s2, s6, $0xb8;
	[tilespmem:$0x1A900] =	vst v63  }
0xc: {  	_ =	swait.ge [sflag:s8], $0xC800  }
0xd: {  	s12 =	sadd.s32 $0x11400, s9;
	[sflag:s8] =	ssyncset.done $0x0  }
0xe: {  	s9 =	simm.s32 $0xE100;
	s10 =	smul.u32 $0xC800, s11;
	[sflag:s8] =	ssyncadd.s32 $0xFFFF3800  }
0xf: {  	[tilespmem:s9], [sflag:$0x2] =	stream.indirect.gather [hbm4b:s5+s6], $0x40, s6, s6, $0xb8;
	[tilespmem:$0x1A900] =	vst v63  }
0x10: {  	s10 =	sadd.s32 s12, s10  }
0x11: {  	[hbm4b:s10+s2] =	stream.linear.scatter [tilespmem:s7], [sflag:$0x3], $0xC800, $0x38;
	[tilespmem:$0x1A900] =	vst v63  }
0x12: {  	_ =	swait.ge [sflag:s3], $0xC800  }
0x13: {  	[sflag:s3] =	ssyncset.done $0x0  }
0x14: {  	s13 =	smul.u32 $0x64000, s11;
	s11 =	simm.s32 $0x2;
	[sflag:s3] =	ssyncadd.s32 $0xFFFF3800  }
0x15: {  	_ =	swait.ge [sflag:s11], $0xC800  }
0x16: {  	s13 =	sshrl.u32 s13, $0x3;
	[sflag:s11] =	ssyncset.done $0x0  }
0x17: {  	s25 =	sadd.s32 s12, s13;
	s12 =	simm.s32 $0x640;
	[sflag:s11] =	ssyncadd.s32 $0xFFFF3800  }
0x18: {  	[tilespmem:s7], [sflag:$0x1] =	stream.indirect.gather [hbm4b:s5+s6], $0x40, s12, s6, $0xb8;
	[tilespmem:$0x1A900] =	vst v63  }
0x19: {  	s13 =	sadd.s32 $0x1900, s25  }
0x1a: {  	[hbm4b:s13+s2] =	stream.linear.scatter [tilespmem:s9], [sflag:$0x3], $0xC800, $0x38;
	[tilespmem:$0x1A900] =	vst v63  }
0x1b: {  	_ =	swait.ge [sflag:s3], $0xC800  }
0x1c: {  	[sflag:s3] =	ssyncset.done $0x0  }
0x1d: {  	[sflag:s3] =	ssyncadd.s32 $0xFFFF3800  }
0x1e: {  	_ =	swait.ge [sflag:s8], $0xC800  }
0x1f: {  	[sflag:s8] =	ssyncset.done $0x0  }
0x20: {  	s14 =	simm.s32 $0x960;
	[sflag:s8] =	ssyncadd.s32 $0xFFFF3800  }
0x21: {  	[tilespmem:s9], [sflag:$0x2] =	stream.indirect.gather [hbm4b:s5+s6], $0x40, s14, s6, $0xb8;
	[tilespmem:$0x1A900] =	vst v63  }
0x22: {  	s15 =	sadd.s32 $0x3200, s25  }
0x23: {  	[hbm4b:s15+s2] =	stream.linear.scatter [tilespmem:s7], [sflag:$0x3], $0xC800, $0x38;
	[tilespmem:$0x1A900] =	vst v63  }
0x24: {  	_ =	swait.ge [sflag:s3], $0xC800  }
0x25: {  	[sflag:s3] =	ssyncset.done $0x0  }
0x26: {  	[sflag:s3] =	ssyncadd.s32 $0xFFFF3800  }
0x27: {  	_ =	swait.ge [sflag:s11], $0xC800  }
0x28: {  	[sflag:s11] =	ssyncset.done $0x0  }
0x29: {  	s16 =	simm.s32 $0xC80;
	[sflag:s11] =	ssyncadd.s32 $0xFFFF3800  }
0x2a: {  	[tilespmem:s7], [sflag:$0x1] =	stream.indirect.gather [hbm4b:s5+s6], $0x40, s16, s6, $0xb8;
	[tilespmem:$0x1A900] =	vst v63  }
0x2b: {  	s17 =	sadd.s32 $0x4B00, s25  }
0x2c: {  	[hbm4b:s17+s2] =	stream.linear.scatter [tilespmem:s9], [sflag:$0x3], $0xC800, $0x38;
	[tilespmem:$0x1A900] =	vst v63  }
0x2d: {  	_ =	swait.ge [sflag:s3], $0xC800  }
0x2e: {  	[sflag:s3] =	ssyncset.done $0x0  }
0x2f: {  	[sflag:s3] =	ssyncadd.s32 $0xFFFF3800  }
0x30: {  	_ =	swait.ge [sflag:s8], $0xC800  }
0x31: {  	[sflag:s8] =	ssyncset.done $0x0  }
0x32: {  	s18 =	simm.s32 $0xFA0;
	[sflag:s8] =	ssyncadd.s32 $0xFFFF3800  }
0x33: {  	[tilespmem:s9], [sflag:$0x2] =	stream.indirect.gather [hbm4b:s5+s6], $0x40, s18, s6, $0xb8;
	[tilespmem:$0x1A900] =	vst v63  }
0x34: {  	s19 =	sadd.s32 $0x6400, s25  }
0x35: {  	[hbm4b:s19+s2] =	stream.linear.scatter [tilespmem:s7], [sflag:$0x3], $0xC800, $0x38;
	[tilespmem:$0x1A900] =	vst v63  }
0x36: {  	_ =	swait.ge [sflag:s3], $0xC800  }
0x37: {  	[sflag:s3] =	ssyncset.done $0x0  }
0x38: {  	[sflag:s3] =	ssyncadd.s32 $0xFFFF3800  }
0x39: {  	_ =	swait.ge [sflag:s11], $0xC800  }
0x3a: {  	[sflag:s11] =	ssyncset.done $0x0  }
0x3b: {  	s20 =	simm.s32 $0x12C0;
	[sflag:s11] =	ssyncadd.s32 $0xFFFF3800  }
0x3c: {  	[tilespmem:s7], [sflag:$0x1] =	stream.indirect.gather [hbm4b:s5+s6], $0x40, s20, s6, $0xb8;
	[tilespmem:$0x1A900] =	vst v63  }
0x3d: {  	s21 =	sadd.s32 $0x7D00, s25  }
0x3e: {  	[hbm4b:s21+s2] =	stream.linear.scatter [tilespmem:s9], [sflag:$0x3], $0xC800, $0x38;
	[tilespmem:$0x1A900] =	vst v63  }
0x3f: {  	_ =	swait.ge [sflag:s3], $0xC800  }
0x40: {  	[sflag:s3] =	ssyncset.done $0x0  }
0x41: {  	[sflag:s3] =	ssyncadd.s32 $0xFFFF3800  }
0x42: {  	_ =	swait.ge [sflag:s8], $0xC800  }
0x43: {  	[sflag:s8] =	ssyncset.done $0x0  }
0x44: {  	s22 =	simm.s32 $0x15E0;
	[sflag:s8] =	ssyncadd.s32 $0xFFFF3800  }
0x45: {  	[tilespmem:s9], [sflag:$0x2] =	stream.indirect.gather [hbm4b:s5+s6], $0x40, s22, s6, $0xb8;
	[tilespmem:$0x1A900] =	vst v63  }
0x46: {  	s24 =	ssub.s32 $0x2, s24;
	s23 =	sadd.s32 $0x9600, s25  }
0x47: {  	[hbm4b:s23+s2] =	stream.linear.scatter [tilespmem:s7], [sflag:$0x3], $0xC800, $0x38;
	[tilespmem:$0x1A900] =	vst v63  }
0x48: {  	s26 =	sshrl.u32 s24, $0x1;
	_ =	swait.ge [sflag:s3], $0xC800  }
0x49: {  	s26 =	ssub.s32 s24, s26;
	[sflag:s3] =	ssyncset.done $0x0  }
0x4a: {  	s31 =	smax.u32 s26, $0x1;
	[sflag:s3] =	ssyncadd.s32 $0xFFFF3800  }
0x4b: {  	p0 =	sne.s32 s31, $0x1;
	_ =	swait.ge [sflag:s11], $0xC800  }
.Ltmp0:
0x4c: {  	[sflag:s11] =	ssyncset.done $0x0;
	(pc) =	sbr.rel @!p0 .LBB2_2-.Ltmp0, $4  }
0x4d: {  	s24 =	sadd.s32 $0xAF00, s25;
	[sflag:s11] =	ssyncadd.s32 $0xFFFF3800  }
0x4e: {  	[hbm4b:s24+s2] =	stream.linear.scatter [tilespmem:s9], [sflag:$0x3], $0xC800, $0x38;
	[tilespmem:$0x1A900] =	vst v63  }
0x4f: {  	_ =	swait.ge [sflag:s3], $0xC800  }
0x50: {  	s25 =	sadd.s32 $0xFFFFFFFF, s31;
	[sflag:s3] =	ssyncset.done $0x0  }
.LBB2_1:
0x51: {  	p0 =	sne.s32 s25, $0x1;
	s25 =	sadd.s32 $0xFFFFFFFF, s25;
	[sflag:s3] =	ssyncadd.s32 $0xFFFF3800  }
0x52: {  	[tilespmem:s2], [sflag:$0x3] =	stream.linear.gather [hbm4b:s4+s2], $0x1900, $0x38;
	[tilespmem:$0x1A900] =	vst v63  }
0x53: {  	_ =	swait.ge [sflag:s3], $0x1900  }
0x54: {  	[sflag:s3] =	ssyncset.done $0x0  }
0x55: {  	[sflag:s3] =	ssyncadd.s32 $0xFFFFE700  }
0x56: {  	[tilespmem:s7], [sflag:$0x1] =	stream.indirect.gather [hbm4b:s5+s6], $0x40, s2, s6, $0xb8;
	[tilespmem:$0x1A900] =	vst v63  }
0x57: {  	_ =	swait.ge [sflag:s8], $0xC800  }
0x58: {  	[sflag:s8] =	ssyncset.done $0x0  }
0x59: {  	[sflag:s8] =	ssyncadd.s32 $0xFFFF3800  }
0x5a: {  	[tilespmem:s9], [sflag:$0x2] =	stream.indirect.gather [hbm4b:s5+s6], $0x40, s6, s6, $0xb8;
	[tilespmem:$0x1A900] =	vst v63  }
0x5b: {  	_ = 	snop  }
0x5c: {  	[hbm4b:s10+s2] =	stream.linear.scatter [tilespmem:s7], [sflag:$0x3], $0xC800, $0x38;
	[tilespmem:$0x1A900] =	vst v63  }
0x5d: {  	_ =	swait.ge [sflag:s3], $0xC800  }
0x5e: {  	[sflag:s3] =	ssyncset.done $0x0  }
0x5f: {  	[sflag:s3] =	ssyncadd.s32 $0xFFFF3800  }
0x60: {  	_ =	swait.ge [sflag:s11], $0xC800  }
0x61: {  	[sflag:s11] =	ssyncset.done $0x0  }
0x62: {  	[sflag:s11] =	ssyncadd.s32 $0xFFFF3800  }
0x63: {  	[tilespmem:s7], [sflag:$0x1] =	stream.indirect.gather [hbm4b:s5+s6], $0x40, s12, s6, $0xb8;
	[tilespmem:$0x1A900] =	vst v63  }
0x64: {  	_ = 	snop  }
0x65: {  	[hbm4b:s13+s2] =	stream.linear.scatter [tilespmem:s9], [sflag:$0x3], $0xC800, $0x38;
	[tilespmem:$0x1A900] =	vst v63  }
0x66: {  	_ =	swait.ge [sflag:s3], $0xC800  }
0x67: {  	[sflag:s3] =	ssyncset.done $0x0  }
0x68: {  	[sflag:s3] =	ssyncadd.s32 $0xFFFF3800  }
0x69: {  	_ =	swait.ge [sflag:s8], $0xC800  }
0x6a: {  	[sflag:s8] =	ssyncset.done $0x0  }
0x6b: {  	[sflag:s8] =	ssyncadd.s32 $0xFFFF3800  }
0x6c: {  	[tilespmem:s9], [sflag:$0x2] =	stream.indirect.gather [hbm4b:s5+s6], $0x40, s14, s6, $0xb8;
	[tilespmem:$0x1A900] =	vst v63  }
0x6d: {  	_ = 	snop  }
0x6e: {  	[hbm4b:s15+s2] =	stream.linear.scatter [tilespmem:s7], [sflag:$0x3], $0xC800, $0x38;
	[tilespmem:$0x1A900] =	vst v63  }
0x6f: {  	_ =	swait.ge [sflag:s3], $0xC800  }
0x70: {  	[sflag:s3] =	ssyncset.done $0x0  }
0x71: {  	[sflag:s3] =	ssyncadd.s32 $0xFFFF3800  }
0x72: {  	_ =	swait.ge [sflag:s11], $0xC800  }
0x73: {  	[sflag:s11] =	ssyncset.done $0x0  }
0x74: {  	[sflag:s11] =	ssyncadd.s32 $0xFFFF3800  }
0x75: {  	[tilespmem:s7], [sflag:$0x1] =	stream.indirect.gather [hbm4b:s5+s6], $0x40, s16, s6, $0xb8;
	[tilespmem:$0x1A900] =	vst v63  }
0x76: {  	_ = 	snop  }
0x77: {  	[hbm4b:s17+s2] =	stream.linear.scatter [tilespmem:s9], [sflag:$0x3], $0xC800, $0x38;
	[tilespmem:$0x1A900] =	vst v63  }
0x78: {  	_ =	swait.ge [sflag:s3], $0xC800  }
0x79: {  	[sflag:s3] =	ssyncset.done $0x0  }
0x7a: {  	[sflag:s3] =	ssyncadd.s32 $0xFFFF3800  }
0x7b: {  	_ =	swait.ge [sflag:s8], $0xC800  }
0x7c: {  	[sflag:s8] =	ssyncset.done $0x0  }
0x7d: {  	[sflag:s8] =	ssyncadd.s32 $0xFFFF3800  }
0x7e: {  	[tilespmem:s9], [sflag:$0x2] =	stream.indirect.gather [hbm4b:s5+s6], $0x40, s18, s6, $0xb8;
	[tilespmem:$0x1A900] =	vst v63  }
0x7f: {  	_ = 	snop  }
0x80: {  	[hbm4b:s19+s2] =	stream.linear.scatter [tilespmem:s7], [sflag:$0x3], $0xC800, $0x38;
	[tilespmem:$0x1A900] =	vst v63  }
0x81: {  	_ =	swait.ge [sflag:s3], $0xC800  }
0x82: {  	[sflag:s3] =	ssyncset.done $0x0  }
0x83: {  	[sflag:s3] =	ssyncadd.s32 $0xFFFF3800  }
0x84: {  	_ =	swait.ge [sflag:s11], $0xC800  }
0x85: {  	[sflag:s11] =	ssyncset.done $0x0  }
0x86: {  	[sflag:s11] =	ssyncadd.s32 $0xFFFF3800  }
0x87: {  	[tilespmem:s7], [sflag:$0x1] =	stream.indirect.gather [hbm4b:s5+s6], $0x40, s20, s6, $0xb8;
	[tilespmem:$0x1A900] =	vst v63  }
0x88: {  	_ = 	snop  }
0x89: {  	[hbm4b:s21+s2] =	stream.linear.scatter [tilespmem:s9], [sflag:$0x3], $0xC800, $0x38;
	[tilespmem:$0x1A900] =	vst v63  }
0x8a: {  	_ =	swait.ge [sflag:s3], $0xC800  }
0x8b: {  	[sflag:s3] =	ssyncset.done $0x0  }
0x8c: {  	[sflag:s3] =	ssyncadd.s32 $0xFFFF3800  }
0x8d: {  	_ =	swait.ge [sflag:s8], $0xC800  }
0x8e: {  	[sflag:s8] =	ssyncset.done $0x0  }
0x8f: {  	[sflag:s8] =	ssyncadd.s32 $0xFFFF3800  }
0x90: {  	[tilespmem:s9], [sflag:$0x2] =	stream.indirect.gather [hbm4b:s5+s6], $0x40, s22, s6, $0xb8;
	[tilespmem:$0x1A900] =	vst v63  }
0x91: {  	_ = 	snop  }
0x92: {  	[hbm4b:s23+s2] =	stream.linear.scatter [tilespmem:s7], [sflag:$0x3], $0xC800, $0x38;
	[tilespmem:$0x1A900] =	vst v63  }
0x93: {  	_ =	swait.ge [sflag:s3], $0xC800  }
0x94: {  	[sflag:s3] =	ssyncset.done $0x0  }
0x95: {  	[sflag:s3] =	ssyncadd.s32 $0xFFFF3800  }
0x96: {  	_ =	swait.ge [sflag:s11], $0xC800  }
.Ltmp1:
0x97: {  	[sflag:s11] =	ssyncset.done $0x0;
	(pc) =	sbr.rel @p0 .LBB2_1-.Ltmp1, $4  }
0x98: {  	[sflag:s11] =	ssyncadd.s32 $0xFFFF3800  }
0x99: {  	[hbm4b:s24+s2] =	stream.linear.scatter [tilespmem:s9], [sflag:$0x3], $0xC800, $0x38;
	[tilespmem:$0x1A900] =	vst v63  }
0x9a: {  	_ =	swait.ge [sflag:s3], $0xC800  }
0x9b: {  	[sflag:s3] =	ssyncset.done $0x0  }
.LBB2_2:
0x9c: {  	[sflag:s3] =	ssyncadd.s32 $0xFFFF3800  }
0x9d: {  	_ =	sfence.sel $0x180000  }
0x9e: {  	[bflag:$0x0] =	sbarrier.arrive $0xFFFF  }
0x9f: {  	p0 =	sne.s32 s0, $0x0;
	_ =	strace $0x90000047  }
0xa0: {  	s0 =	sadd.s32 @!p0 $0x100000, s1;
	[bflag:$0x2] =	sbarrier.arrive $0xFFFF  }
0xa1: {  	[sflag:s0] =	ssyncadd.tile.s32 @!p0 $0x1;
	_ =	shalt  }
.Lfunc_end2:
_tile_overlayer_lowered:
.L_overlay_start_2:
0xa2: {  	(tag) =	ssettag $0x2  }
0xa3: {  	s0 =	rddreg [dreg:$0x0];
	s2 =	stileid.u32  }
0xa4: {  	s1 =	rddreg [dreg:$0x1];
	p0 =	sne.s32 s2, $0x0  }
0xa5: {  	s3 =	rddreg [dreg:$0x2];
	[bflag:$0x3] =	sbarrier.arrive $0xFFFF;
	s2 =	simm.s32 @!p0 $0x1C03  }
0xa6: {  	[timem:s3], [sflag:s2] =	dma.local @!p0 [hbm:s0], s1  }
0xa7: {  	s0 =	simm.s32 @!p0 $0x3  }
0xa8: {  	_ =	swait.ge @!p0 [sflag:s0], s1  }
0xa9: {  	s1 =	ssub.s32 @!p0 $0x0, s1;
	[sflag:s0] =	ssyncset.done @!p0 $0x0  }
0xaa: {  	[sflag:s0] =	ssyncadd.s32 @!p0 s1  }
0xab: {  	[bflag:$0x3] =	sbarrier.arrive $0xFFFF  }
0xac: {  	_ =	shalt  }

</sc_bundles>
